<compile_context>
chip_gen: v7x
topology: tpu7x:2x2x1
jax: 0.10.2.dev20260603
libtpu: 0.0.44.dev20260713+nightly
codegen_flags: <defaults>
</compile_context>

<pallas_src>
import functools

import jax
import jax.numpy as jnp
from jax import lax
from jax.experimental import pallas as pl
from jax.experimental.pallas import tpu as pltpu
from jax.experimental.pallas import tpu_sc as plsc

BATCH = 16384
SEQ = 201
DIM = 64
NC, NS = 2, 16
NW = NC * NS
BBLK = 2
BPW = BATCH // NW
CHUNKS_PER_W = BPW // BBLK
NB = 4
OUTER = CHUNKS_PER_W // NB


def _make_gather():
    mesh = plsc.VectorSubcoreMesh(core_axis_name="c", subcore_axis_name="s")

    @functools.partial(
        pl.kernel,
        mesh=mesh,
        out_type=jax.ShapeDtypeStruct((BATCH, SEQ, DIM), jnp.float32),
        scratch_types=[
            [pltpu.VMEM((BBLK, SEQ), jnp.int32) for _ in range(NB)],
            [pltpu.VMEM((BBLK, SEQ, DIM), jnp.float32) for _ in range(NB)],
            [pltpu.SemaphoreType.DMA for _ in range(NB)],
            [pltpu.SemaphoreType.DMA for _ in range(NB)],
        ],
        compiler_params=pltpu.CompilerParams(use_tc_tiling_on_sc=False),
    )
    def gather_kernel(w_hbm, table_hbm, out_hbm, idx_v, rows_v, gsem, ssem):
        wid = lax.axis_index("s") * NC + lax.axis_index("c")
        bbase = wid * BPW

        def fire_gathers(b, c):
            b0 = bbase + c * BBLK
            pltpu.sync_copy(w_hbm.at[pl.ds(b0, BBLK)], idx_v[b])
            for i in range(BBLK):
                pltpu.async_copy(
                    table_hbm.at[idx_v[b].at[i]], rows_v[b].at[i], gsem[b]
                )

        def wait_gathers(b):
            for i in range(BBLK):
                pltpu.make_async_copy(
                    table_hbm.at[idx_v[b].at[i]], rows_v[b].at[i], gsem[b]
                ).wait()

        def fire_store(b, c):
            pltpu.async_copy(
                rows_v[b], out_hbm.at[pl.ds(bbase + c * BBLK, BBLK)], ssem[b]
            )

        def wait_store(b, c):
            pltpu.make_async_copy(
                rows_v[b], out_hbm.at[pl.ds(bbase + c * BBLK, BBLK)], ssem[b]
            ).wait()

        for b in range(NB):
            fire_gathers(b, b)

        def body(g, carry):
            c0 = g * NB
            for b in range(NB):
                wait_gathers(b)
                fire_store(b, c0 + b)

            @pl.when(g < OUTER - 1)
            def _prefetch():
                for b in range(NB):
                    wait_store(b, c0 + b)
                    fire_gathers(b, c0 + NB + b)

            return carry

        lax.fori_loop(0, OUTER, body, 0)
        for b in range(NB):
            wait_store(b, (OUTER - 1) * NB + b)

    return gather_kernel


_gather = _make_gather()


@jax.jit
def kernel(w, table):
    return _gather(w.astype(jnp.int32), table)

# --- scband reference (transcript-rebuilt; emitter-appended) ---
"""Pipeline reference for scband-discretizer-16114717295164 (READ-ONLY COPY).

The authoritative reference and input builder live on the scoring server;
editing this copy changes nothing except your own understanding.
"""

import jax, jax.numpy as jnp
import numpy as np

BATCH = 16384
SEQ = 201  # 1 + max_length
VOCAB_SIZE = 100000
NUM_TOKENS = 2 + VOCAB_SIZE  # pad=0, eos=1
DIM_H = 64


def setup_inputs(seed: int = 0) -> dict:
    key = jax.random.key(seed)
    k_w, k_tab, k_sos = jax.random.split(key, 3)
    # token indices into the embedding table (pad=0, eos=1, chars>=2)
    w = jax.random.randint(k_w, (BATCH, SEQ), 0, NUM_TOKENS)
    # learned parameters per __init__: SafeEmbedding(num_tokens, dim_h)
    table = jax.random.normal(k_tab, (NUM_TOKENS, DIM_H), dtype=jnp.float32)
    return {"w": w, "table": table}


def reference(w, table):
    # Discretizer core op: w_embedding = self.embedding(w)
    # SafeEmbedding is a plain row-gather embedding lookup.
    w_embedding = jnp.take(table, w, axis=0)  # [B, 1+max_length, dim_h]
    return w_embedding

if __name__ == "__main__":
    import jax
    _d = setup_inputs()
    print(jax.jit(kernel)(*tuple(_d.values())))

</pallas_src>

<mosaic_0001>
#map = affine_map<(d0, d1) -> (0, 0)>
#map1 = affine_map<(d0, d1) -> (0, 0, 0)>
module attributes {stable_mosaic.version = 14 : i64} {
  func.func @gather_kernel(%arg0: i32, %arg1: i32, %arg2: memref<16384x201xi32, #tpu.memory_space<hbm>>, %arg3: memref<100002x64xf32, #tpu.memory_space<hbm>>, %arg4: memref<16384x201x64xf32, #tpu.memory_space<hbm>>, %arg5: memref<2x201xi32, #tpu.memory_space<vmem>>, %arg6: memref<2x201xi32, #tpu.memory_space<vmem>>, %arg7: memref<2x201xi32, #tpu.memory_space<vmem>>, %arg8: memref<2x201xi32, #tpu.memory_space<vmem>>, %arg9: memref<2x201x64xf32, #tpu.memory_space<vmem>>, %arg10: memref<2x201x64xf32, #tpu.memory_space<vmem>>, %arg11: memref<2x201x64xf32, #tpu.memory_space<vmem>>, %arg12: memref<2x201x64xf32, #tpu.memory_space<vmem>>, %arg13: memref<!tpu.dma_semaphore, #tpu.memory_space<semaphore_mem>>, %arg14: memref<!tpu.dma_semaphore, #tpu.memory_space<semaphore_mem>>, %arg15: memref<!tpu.dma_semaphore, #tpu.memory_space<semaphore_mem>>, %arg16: memref<!tpu.dma_semaphore, #tpu.memory_space<semaphore_mem>>, %arg17: memref<!tpu.dma_semaphore, #tpu.memory_space<semaphore_mem>>, %arg18: memref<!tpu.dma_semaphore, #tpu.memory_space<semaphore_mem>>, %arg19: memref<!tpu.dma_semaphore, #tpu.memory_space<semaphore_mem>>, %arg20: memref<!tpu.dma_semaphore, #tpu.memory_space<semaphore_mem>>) attributes {dimension_semantics = [#tpu.dimension_semantics<core_parallel>, #tpu.dimension_semantics<subcore_parallel>], iteration_bounds = array<i64: 2, 16>, scalar_prefetch = 0 : i64, scratch_operands = 16 : i64, tpu.core_type = #tpu.core_type<sc_vector_subcore>, window_params = [{transform_indices = #map}, {transform_indices = #map}, {transform_indices = #map1}]} {
    %mul3A = arith.constant 2 : i32
    %mul3A_0 = arith.muli %arg1, %mul3A : i32
    %add3A = arith.addi %mul3A_0, %arg0 : i32
    %mul3A_1 = arith.constant 512 : i32
    %mul3A_2 = arith.muli %add3A, %mul3A_1 : i32
    %add3A_3 = arith.constant 0 : i32
    %add3A_4 = arith.addi %mul3A_2, %add3A_3 : i32
    "tpu.region"() ({
      %run_scoped3A = tpu.sem_alloc : memref<!tpu.dma_semaphore, #tpu.memory_space<semaphore_mem>>
      %dma_start3A_142 = arith.constant 0 : i32
      %dma_start3A_143 = tpu.memref_slice %arg2[%add3A_4, %dma_start3A_142] : memref<16384x201xi32, #tpu.memory_space<hbm>> -> memref<2x201xi32, #tpu.memory_space<hbm>>
      %dma_start3A_144 = arith.constant 0 : i32
      %dma_start3A_145 = tpu.memref_slice %arg2[%add3A_4, %dma_start3A_144] : memref<16384x201xi32, #tpu.memory_space<hbm>> -> memref<2x201xi32, #tpu.memory_space<hbm>>
      tpu.enqueue_dma source(%dma_start3A_145 : memref<2x201xi32, #tpu.memory_space<hbm>>) target(%arg5 : memref<2x201xi32, #tpu.memory_space<vmem>>) target_semaphore(%run_scoped3A : memref<!tpu.dma_semaphore, #tpu.memory_space<semaphore_mem>>)
      %dma_wait3A_146 = arith.constant 0 : i32
      %dma_wait3A_147 = tpu.memref_slice %arg2[%add3A_4, %dma_wait3A_146] : memref<16384x201xi32, #tpu.memory_space<hbm>> -> memref<2x201xi32, #tpu.memory_space<hbm>>
      %dma_wait3A_148 = arith.constant 0 : i32
      %dma_wait3A_149 = tpu.memref_slice %arg2[%add3A_4, %dma_wait3A_148] : memref<16384x201xi32, #tpu.memory_space<hbm>> -> memref<2x201xi32, #tpu.memory_space<hbm>>
      tpu.wait_dma2 semaphore(%run_scoped3A : memref<!tpu.dma_semaphore, #tpu.memory_space<semaphore_mem>>) src(%dma_wait3A_149 : memref<2x201xi32, #tpu.memory_space<hbm>>) dst(%arg5 : memref<2x201xi32, #tpu.memory_space<vmem>>)
      tpu.yield
    }) : () -> ()
    %dma_start3A = arith.constant 0 : i32
    %dma_start3A_5 = arith.constant 0 : i32
    %dma_start3A_6 = arith.constant 0 : i32
    %dma_start3A_7 = arith.constant 0 : i32
    %dma_start3A_8 = tpu.memref_slice %arg9[%dma_start3A_5, %dma_start3A_6, %dma_start3A_7] : memref<2x201x64xf32, #tpu.memory_space<vmem>> -> memref<1x201x64xf32, #tpu.memory_space<vmem>>
    %dma_start3A_9 = tpu.memref_squeeze %dma_start3A_8 : memref<1x201x64xf32, #tpu.memory_space<vmem>> -> memref<201x64xf32, #tpu.memory_space<vmem>>
    %dma_start3A_10 = arith.constant 0 : i32
    %dma_start3A_11 = tpu.memref_slice %arg5[%dma_start3A, %dma_start3A_10] : memref<2x201xi32, #tpu.memory_space<vmem>> -> memref<1x201xi32, #tpu.memory_space<vmem>>
    %dma_start3A_12 = tpu.memref_squeeze %dma_start3A_11 : memref<1x201xi32, #tpu.memory_space<vmem>> -> memref<201xi32, #tpu.memory_space<vmem>>
    %dma_start3A_13 = arith.constant 0 : i32
    %dma_start3A_14 = arith.constant 0 : i32
    %dma_start3A_15 = tpu.memref_slice %arg3[%dma_start3A_13, %dma_start3A_14] : memref<100002x64xf32, #tpu.memory_space<hbm>> -> memref<100002x64xf32, #tpu.memory_space<hbm>>
    tpu.enqueue_indirect_dma source(%dma_start3A_15 : memref<100002x64xf32, #tpu.memory_space<hbm>>) target(%dma_start3A_9 : memref<201x64xf32, #tpu.memory_space<vmem>>) offsets(%dma_start3A_12 : memref<201xi32, #tpu.memory_space<vmem>>) semaphore(%arg13 : memref<!tpu.dma_semaphore, #tpu.memory_space<semaphore_mem>>)
    %dma_start3A_16 = arith.constant 1 : i32
    %dma_start3A_17 = arith.constant 1 : i32
    %dma_start3A_18 = arith.constant 0 : i32
    %dma_start3A_19 = arith.constant 0 : i32
    %dma_start3A_20 = tpu.memref_slice %arg9[%dma_start3A_17, %dma_start3A_18, %dma_start3A_19] : memref<2x201x64xf32, #tpu.memory_space<vmem>> -> memref<1x201x64xf32, #tpu.memory_space<vmem>>
    %dma_start3A_21 = tpu.memref_squeeze %dma_start3A_20 : memref<1x201x64xf32, #tpu.memory_space<vmem>> -> memref<201x64xf32, #tpu.memory_space<vmem>>
    %dma_start3A_22 = arith.constant 0 : i32
    %dma_start3A_23 = tpu.memref_slice %arg5[%dma_start3A_16, %dma_start3A_22] : memref<2x201xi32, #tpu.memory_space<vmem>> -> memref<1x201xi32, #tpu.memory_space<vmem>>
    %dma_start3A_24 = tpu.memref_squeeze %dma_start3A_23 : memref<1x201xi32, #tpu.memory_space<vmem>> -> memref<201xi32, #tpu.memory_space<vmem>>
    %dma_start3A_25 = arith.constant 0 : i32
    %dma_start3A_26 = arith.constant 0 : i32
    %dma_start3A_27 = tpu.memref_slice %arg3[%dma_start3A_25, %dma_start3A_26] : memref<100002x64xf32, #tpu.memory_space<hbm>> -> memref<100002x64xf32, #tpu.memory_space<hbm>>
    tpu.enqueue_indirect_dma source(%dma_start3A_27 : memref<100002x64xf32, #tpu.memory_space<hbm>>) target(%dma_start3A_21 : memref<201x64xf32, #tpu.memory_space<vmem>>) offsets(%dma_start3A_24 : memref<201xi32, #tpu.memory_space<vmem>>) semaphore(%arg13 : memref<!tpu.dma_semaphore, #tpu.memory_space<semaphore_mem>>)
    %add3A_28 = arith.constant 2 : i32
    %add3A_29 = arith.addi %mul3A_2, %add3A_28 : i32
    "tpu.region"() ({
      %run_scoped3A = tpu.sem_alloc : memref<!tpu.dma_semaphore, #tpu.memory_space<semaphore_mem>>
      %dma_start3A_142 = arith.constant 0 : i32
      %dma_start3A_143 = tpu.memref_slice %arg2[%add3A_29, %dma_start3A_142] : memref<16384x201xi32, #tpu.memory_space<hbm>> -> memref<2x201xi32, #tpu.memory_space<hbm>>
      %dma_start3A_144 = arith.constant 0 : i32
      %dma_start3A_145 = tpu.memref_slice %arg2[%add3A_29, %dma_start3A_144] : memref<16384x201xi32, #tpu.memory_space<hbm>> -> memref<2x201xi32, #tpu.memory_space<hbm>>
      tpu.enqueue_dma source(%dma_start3A_145 : memref<2x201xi32, #tpu.memory_space<hbm>>) target(%arg6 : memref<2x201xi32, #tpu.memory_space<vmem>>) target_semaphore(%run_scoped3A : memref<!tpu.dma_semaphore, #tpu.memory_space<semaphore_mem>>)
      %dma_wait3A_146 = arith.constant 0 : i32
      %dma_wait3A_147 = tpu.memref_slice %arg2[%add3A_29, %dma_wait3A_146] : memref<16384x201xi32, #tpu.memory_space<hbm>> -> memref<2x201xi32, #tpu.memory_space<hbm>>
      %dma_wait3A_148 = arith.constant 0 : i32
      %dma_wait3A_149 = tpu.memref_slice %arg2[%add3A_29, %dma_wait3A_148] : memref<16384x201xi32, #tpu.memory_space<hbm>> -> memref<2x201xi32, #tpu.memory_space<hbm>>
      tpu.wait_dma2 semaphore(%run_scoped3A : memref<!tpu.dma_semaphore, #tpu.memory_space<semaphore_mem>>) src(%dma_wait3A_149 : memref<2x201xi32, #tpu.memory_space<hbm>>) dst(%arg6 : memref<2x201xi32, #tpu.memory_space<vmem>>)
      tpu.yield
    }) : () -> ()
    %dma_start3A_30 = arith.constant 0 : i32
    %dma_start3A_31 = arith.constant 0 : i32
    %dma_start3A_32 = arith.constant 0 : i32
    %dma_start3A_33 = arith.constant 0 : i32
    %dma_start3A_34 = tpu.memref_slice %arg10[%dma_start3A_31, %dma_start3A_32, %dma_start3A_33] : memref<2x201x64xf32, #tpu.memory_space<vmem>> -> memref<1x201x64xf32, #tpu.memory_space<vmem>>
    %dma_start3A_35 = tpu.memref_squeeze %dma_start3A_34 : memref<1x201x64xf32, #tpu.memory_space<vmem>> -> memref<201x64xf32, #tpu.memory_space<vmem>>
    %dma_start3A_36 = arith.constant 0 : i32
    %dma_start3A_37 = tpu.memref_slice %arg6[%dma_start3A_30, %dma_start3A_36] : memref<2x201xi32, #tpu.memory_space<vmem>> -> memref<1x201xi32, #tpu.memory_space<vmem>>
    %dma_start3A_38 = tpu.memref_squeeze %dma_start3A_37 : memref<1x201xi32, #tpu.memory_space<vmem>> -> memref<201xi32, #tpu.memory_space<vmem>>
    %dma_start3A_39 = arith.constant 0 : i32
    %dma_start3A_40 = arith.constant 0 : i32
    %dma_start3A_41 = tpu.memref_slice %arg3[%dma_start3A_39, %dma_start3A_40] : memref<100002x64xf32, #tpu.memory_space<hbm>> -> memref<100002x64xf32, #tpu.memory_space<hbm>>
    tpu.enqueue_indirect_dma source(%dma_start3A_41 : memref<100002x64xf32, #tpu.memory_space<hbm>>) target(%dma_start3A_35 : memref<201x64xf32, #tpu.memory_space<vmem>>) offsets(%dma_start3A_38 : memref<201xi32, #tpu.memory_space<vmem>>) semaphore(%arg14 : memref<!tpu.dma_semaphore, #tpu.memory_space<semaphore_mem>>)
    %dma_start3A_42 = arith.constant 1 : i32
    %dma_start3A_43 = arith.constant 1 : i32
    %dma_start3A_44 = arith.constant 0 : i32
    %dma_start3A_45 = arith.constant 0 : i32
    %dma_start3A_46 = tpu.memref_slice %arg10[%dma_start3A_43, %dma_start3A_44, %dma_start3A_45] : memref<2x201x64xf32, #tpu.memory_space<vmem>> -> memref<1x201x64xf32, #tpu.memory_space<vmem>>
    %dma_start3A_47 = tpu.memref_squeeze %dma_start3A_46 : memref<1x201x64xf32, #tpu.memory_space<vmem>> -> memref<201x64xf32, #tpu.memory_space<vmem>>
    %dma_start3A_48 = arith.constant 0 : i32
    %dma_start3A_49 = tpu.memref_slice %arg6[%dma_start3A_42, %dma_start3A_48] : memref<2x201xi32, #tpu.memory_space<vmem>> -> memref<1x201xi32, #tpu.memory_space<vmem>>
    %dma_start3A_50 = tpu.memref_squeeze %dma_start3A_49 : memref<1x201xi32, #tpu.memory_space<vmem>> -> memref<201xi32, #tpu.memory_space<vmem>>
    %dma_start3A_51 = arith.constant 0 : i32
    %dma_start3A_52 = arith.constant 0 : i32
    %dma_start3A_53 = tpu.memref_slice %arg3[%dma_start3A_51, %dma_start3A_52] : memref<100002x64xf32, #tpu.memory_space<hbm>> -> memref<100002x64xf32, #tpu.memory_space<hbm>>
    tpu.enqueue_indirect_dma source(%dma_start3A_53 : memref<100002x64xf32, #tpu.memory_space<hbm>>) target(%dma_start3A_47 : memref<201x64xf32, #tpu.memory_space<vmem>>) offsets(%dma_start3A_50 : memref<201xi32, #tpu.memory_space<vmem>>) semaphore(%arg14 : memref<!tpu.dma_semaphore, #tpu.memory_space<semaphore_mem>>)
    %add3A_54 = arith.constant 4 : i32
    %add3A_55 = arith.addi %mul3A_2, %add3A_54 : i32
    "tpu.region"() ({
      %run_scoped3A = tpu.sem_alloc : memref<!tpu.dma_semaphore, #tpu.memory_space<semaphore_mem>>
      %dma_start3A_142 = arith.constant 0 : i32
      %dma_start3A_143 = tpu.memref_slice %arg2[%add3A_55, %dma_start3A_142] : memref<16384x201xi32, #tpu.memory_space<hbm>> -> memref<2x201xi32, #tpu.memory_space<hbm>>
      %dma_start3A_144 = arith.constant 0 : i32
      %dma_start3A_145 = tpu.memref_slice %arg2[%add3A_55, %dma_start3A_144] : memref<16384x201xi32, #tpu.memory_space<hbm>> -> memref<2x201xi32, #tpu.memory_space<hbm>>
      tpu.enqueue_dma source(%dma_start3A_145 : memref<2x201xi32, #tpu.memory_space<hbm>>) target(%arg7 : memref<2x201xi32, #tpu.memory_space<vmem>>) target_semaphore(%run_scoped3A : memref<!tpu.dma_semaphore, #tpu.memory_space<semaphore_mem>>)
      %dma_wait3A_146 = arith.constant 0 : i32
      %dma_wait3A_147 = tpu.memref_slice %arg2[%add3A_55, %dma_wait3A_146] : memref<16384x201xi32, #tpu.memory_space<hbm>> -> memref<2x201xi32, #tpu.memory_space<hbm>>
      %dma_wait3A_148 = arith.constant 0 : i32
      %dma_wait3A_149 = tpu.memref_slice %arg2[%add3A_55, %dma_wait3A_148] : memref<16384x201xi32, #tpu.memory_space<hbm>> -> memref<2x201xi32, #tpu.memory_space<hbm>>
      tpu.wait_dma2 semaphore(%run_scoped3A : memref<!tpu.dma_semaphore, #tpu.memory_space<semaphore_mem>>) src(%dma_wait3A_149 : memref<2x201xi32, #tpu.memory_space<hbm>>) dst(%arg7 : memref<2x201xi32, #tpu.memory_space<vmem>>)
      tpu.yield
    }) : () -> ()
    %dma_start3A_56 = arith.constant 0 : i32
    %dma_start3A_57 = arith.constant 0 : i32
    %dma_start3A_58 = arith.constant 0 : i32
    %dma_start3A_59 = arith.constant 0 : i32
    %dma_start3A_60 = tpu.memref_slice %arg11[%dma_start3A_57, %dma_start3A_58, %dma_start3A_59] : memref<2x201x64xf32, #tpu.memory_space<vmem>> -> memref<1x201x64xf32, #tpu.memory_space<vmem>>
    %dma_start3A_61 = tpu.memref_squeeze %dma_start3A_60 : memref<1x201x64xf32, #tpu.memory_space<vmem>> -> memref<201x64xf32, #tpu.memory_space<vmem>>
    %dma_start3A_62 = arith.constant 0 : i32
    %dma_start3A_63 = tpu.memref_slice %arg7[%dma_start3A_56, %dma_start3A_62] : memref<2x201xi32, #tpu.memory_space<vmem>> -> memref<1x201xi32, #tpu.memory_space<vmem>>
    %dma_start3A_64 = tpu.memref_squeeze %dma_start3A_63 : memref<1x201xi32, #tpu.memory_space<vmem>> -> memref<201xi32, #tpu.memory_space<vmem>>
    %dma_start3A_65 = arith.constant 0 : i32
    %dma_start3A_66 = arith.constant 0 : i32
    %dma_start3A_67 = tpu.memref_slice %arg3[%dma_start3A_65, %dma_start3A_66] : memref<100002x64xf32, #tpu.memory_space<hbm>> -> memref<100002x64xf32, #tpu.memory_space<hbm>>
    tpu.enqueue_indirect_dma source(%dma_start3A_67 : memref<100002x64xf32, #tpu.memory_space<hbm>>) target(%dma_start3A_61 : memref<201x64xf32, #tpu.memory_space<vmem>>) offsets(%dma_start3A_64 : memref<201xi32, #tpu.memory_space<vmem>>) semaphore(%arg15 : memref<!tpu.dma_semaphore, #tpu.memory_space<semaphore_mem>>)
    %dma_start3A_68 = arith.constant 1 : i32
    %dma_start3A_69 = arith.constant 1 : i32
    %dma_start3A_70 = arith.constant 0 : i32
    %dma_start3A_71 = arith.constant 0 : i32
    %dma_start3A_72 = tpu.memref_slice %arg11[%dma_start3A_69, %dma_start3A_70, %dma_start3A_71] : memref<2x201x64xf32, #tpu.memory_space<vmem>> -> memref<1x201x64xf32, #tpu.memory_space<vmem>>
    %dma_start3A_73 = tpu.memref_squeeze %dma_start3A_72 : memref<1x201x64xf32, #tpu.memory_space<vmem>> -> memref<201x64xf32, #tpu.memory_space<vmem>>
    %dma_start3A_74 = arith.constant 0 : i32
    %dma_start3A_75 = tpu.memref_slice %arg7[%dma_start3A_68, %dma_start3A_74] : memref<2x201xi32, #tpu.memory_space<vmem>> -> memref<1x201xi32, #tpu.memory_space<vmem>>
    %dma_start3A_76 = tpu.memref_squeeze %dma_start3A_75 : memref<1x201xi32, #tpu.memory_space<vmem>> -> memref<201xi32, #tpu.memory_space<vmem>>
    %dma_start3A_77 = arith.constant 0 : i32
    %dma_start3A_78 = arith.constant 0 : i32
    %dma_start3A_79 = tpu.memref_slice %arg3[%dma_start3A_77, %dma_start3A_78] : memref<100002x64xf32, #tpu.memory_space<hbm>> -> memref<100002x64xf32, #tpu.memory_space<hbm>>
    tpu.enqueue_indirect_dma source(%dma_start3A_79 : memref<100002x64xf32, #tpu.memory_space<hbm>>) target(%dma_start3A_73 : memref<201x64xf32, #tpu.memory_space<vmem>>) offsets(%dma_start3A_76 : memref<201xi32, #tpu.memory_space<vmem>>) semaphore(%arg15 : memref<!tpu.dma_semaphore, #tpu.memory_space<semaphore_mem>>)
    %add3A_80 = arith.constant 6 : i32
    %add3A_81 = arith.addi %mul3A_2, %add3A_80 : i32
    "tpu.region"() ({
      %run_scoped3A = tpu.sem_alloc : memref<!tpu.dma_semaphore, #tpu.memory_space<semaphore_mem>>
      %dma_start3A_142 = arith.constant 0 : i32
      %dma_start3A_143 = tpu.memref_slice %arg2[%add3A_81, %dma_start3A_142] : memref<16384x201xi32, #tpu.memory_space<hbm>> -> memref<2x201xi32, #tpu.memory_space<hbm>>
      %dma_start3A_144 = arith.constant 0 : i32
      %dma_start3A_145 = tpu.memref_slice %arg2[%add3A_81, %dma_start3A_144] : memref<16384x201xi32, #tpu.memory_space<hbm>> -> memref<2x201xi32, #tpu.memory_space<hbm>>
      tpu.enqueue_dma source(%dma_start3A_145 : memref<2x201xi32, #tpu.memory_space<hbm>>) target(%arg8 : memref<2x201xi32, #tpu.memory_space<vmem>>) target_semaphore(%run_scoped3A : memref<!tpu.dma_semaphore, #tpu.memory_space<semaphore_mem>>)
      %dma_wait3A_146 = arith.constant 0 : i32
      %dma_wait3A_147 = tpu.memref_slice %arg2[%add3A_81, %dma_wait3A_146] : memref<16384x201xi32, #tpu.memory_space<hbm>> -> memref<2x201xi32, #tpu.memory_space<hbm>>
      %dma_wait3A_148 = arith.constant 0 : i32
      %dma_wait3A_149 = tpu.memref_slice %arg2[%add3A_81, %dma_wait3A_148] : memref<16384x201xi32, #tpu.memory_space<hbm>> -> memref<2x201xi32, #tpu.memory_space<hbm>>
      tpu.wait_dma2 semaphore(%run_scoped3A : memref<!tpu.dma_semaphore, #tpu.memory_space<semaphore_mem>>) src(%dma_wait3A_149 : memref<2x201xi32, #tpu.memory_space<hbm>>) dst(%arg8 : memref<2x201xi32, #tpu.memory_space<vmem>>)
      tpu.yield
    }) : () -> ()
    %dma_start3A_82 = arith.constant 0 : i32
    %dma_start3A_83 = arith.constant 0 : i32
    %dma_start3A_84 = arith.constant 0 : i32
    %dma_start3A_85 = arith.constant 0 : i32
    %dma_start3A_86 = tpu.memref_slice %arg12[%dma_start3A_83, %dma_start3A_84, %dma_start3A_85] : memref<2x201x64xf32, #tpu.memory_space<vmem>> -> memref<1x201x64xf32, #tpu.memory_space<vmem>>
    %dma_start3A_87 = tpu.memref_squeeze %dma_start3A_86 : memref<1x201x64xf32, #tpu.memory_space<vmem>> -> memref<201x64xf32, #tpu.memory_space<vmem>>
    %dma_start3A_88 = arith.constant 0 : i32
    %dma_start3A_89 = tpu.memref_slice %arg8[%dma_start3A_82, %dma_start3A_88] : memref<2x201xi32, #tpu.memory_space<vmem>> -> memref<1x201xi32, #tpu.memory_space<vmem>>
    %dma_start3A_90 = tpu.memref_squeeze %dma_start3A_89 : memref<1x201xi32, #tpu.memory_space<vmem>> -> memref<201xi32, #tpu.memory_space<vmem>>
    %dma_start3A_91 = arith.constant 0 : i32
    %dma_start3A_92 = arith.constant 0 : i32
    %dma_start3A_93 = tpu.memref_slice %arg3[%dma_start3A_91, %dma_start3A_92] : memref<100002x64xf32, #tpu.memory_space<hbm>> -> memref<100002x64xf32, #tpu.memory_space<hbm>>
    tpu.enqueue_indirect_dma source(%dma_start3A_93 : memref<100002x64xf32, #tpu.memory_space<hbm>>) target(%dma_start3A_87 : memref<201x64xf32, #tpu.memory_space<vmem>>) offsets(%dma_start3A_90 : memref<201xi32, #tpu.memory_space<vmem>>) semaphore(%arg16 : memref<!tpu.dma_semaphore, #tpu.memory_space<semaphore_mem>>)
    %dma_start3A_94 = arith.constant 1 : i32
    %dma_start3A_95 = arith.constant 1 : i32
    %dma_start3A_96 = arith.constant 0 : i32
    %dma_start3A_97 = arith.constant 0 : i32
    %dma_start3A_98 = tpu.memref_slice %arg12[%dma_start3A_95, %dma_start3A_96, %dma_start3A_97] : memref<2x201x64xf32, #tpu.memory_space<vmem>> -> memref<1x201x64xf32, #tpu.memory_space<vmem>>
    %dma_start3A_99 = tpu.memref_squeeze %dma_start3A_98 : memref<1x201x64xf32, #tpu.memory_space<vmem>> -> memref<201x64xf32, #tpu.memory_space<vmem>>
    %dma_start3A_100 = arith.constant 0 : i32
    %dma_start3A_101 = tpu.memref_slice %arg8[%dma_start3A_94, %dma_start3A_100] : memref<2x201xi32, #tpu.memory_space<vmem>> -> memref<1x201xi32, #tpu.memory_space<vmem>>
    %dma_start3A_102 = tpu.memref_squeeze %dma_start3A_101 : memref<1x201xi32, #tpu.memory_space<vmem>> -> memref<201xi32, #tpu.memory_space<vmem>>
    %dma_start3A_103 = arith.constant 0 : i32
    %dma_start3A_104 = arith.constant 0 : i32
    %dma_start3A_105 = tpu.memref_slice %arg3[%dma_start3A_103, %dma_start3A_104] : memref<100002x64xf32, #tpu.memory_space<hbm>> -> memref<100002x64xf32, #tpu.memory_space<hbm>>
    tpu.enqueue_indirect_dma source(%dma_start3A_105 : memref<100002x64xf32, #tpu.memory_space<hbm>>) target(%dma_start3A_99 : memref<201x64xf32, #tpu.memory_space<vmem>>) offsets(%dma_start3A_102 : memref<201xi32, #tpu.memory_space<vmem>>) semaphore(%arg16 : memref<!tpu.dma_semaphore, #tpu.memory_space<semaphore_mem>>)
    %scan3A = arith.constant 0 : i32
    %scan3A_106 = arith.constant 0 : i32
    %scan3A_107 = arith.constant 64 : i32
    %scan3A_108 = arith.addi %scan3A_106, %scan3A_107 : i32
    %scan3A_109 = arith.constant 1 : i32
    scf.for %scan3A_142 = %scan3A_106 to %scan3A_108 step %scan3A_109  : i32 {
      %mul3A_143 = arith.constant 4 : i32
      %mul3A_144 = arith.muli %scan3A_142, %mul3A_143 : i32
      %dma_wait3A_145 = arith.constant 0 : i32
      %dma_wait3A_146 = arith.constant 0 : i32
      %dma_wait3A_147 = arith.constant 0 : i32
      %dma_wait3A_148 = arith.constant 0 : i32
      %dma_wait3A_149 = tpu.memref_slice %arg9[%dma_wait3A_146, %dma_wait3A_147, %dma_wait3A_148] : memref<2x201x64xf32, #tpu.memory_space<vmem>> -> memref<1x201x64xf32, #tpu.memory_space<vmem>>
      %dma_wait3A_150 = tpu.memref_squeeze %dma_wait3A_149 : memref<1x201x64xf32, #tpu.memory_space<vmem>> -> memref<201x64xf32, #tpu.memory_space<vmem>>
      %dma_wait3A_151 = arith.constant 0 : i32
      %dma_wait3A_152 = tpu.memref_slice %arg5[%dma_wait3A_145, %dma_wait3A_151] : memref<2x201xi32, #tpu.memory_space<vmem>> -> memref<1x201xi32, #tpu.memory_space<vmem>>
      %dma_wait3A_153 = tpu.memref_squeeze %dma_wait3A_152 : memref<1x201xi32, #tpu.memory_space<vmem>> -> memref<201xi32, #tpu.memory_space<vmem>>
      %dma_wait3A_154 = arith.constant 0 : i32
      %dma_wait3A_155 = arith.constant 0 : i32
      %dma_wait3A_156 = tpu.memref_slice %arg3[%dma_wait3A_154, %dma_wait3A_155] : memref<100002x64xf32, #tpu.memory_space<hbm>> -> memref<100002x64xf32, #tpu.memory_space<hbm>>
      tpu.wait_indirect_dma semaphore(%arg13 : memref<!tpu.dma_semaphore, #tpu.memory_space<semaphore_mem>>) src(%dma_wait3A_156 : memref<100002x64xf32, #tpu.memory_space<hbm>>) dst(%dma_wait3A_150 : memref<201x64xf32, #tpu.memory_space<vmem>>)
      %dma_wait3A_157 = arith.constant 1 : i32
      %dma_wait3A_158 = arith.constant 1 : i32
      %dma_wait3A_159 = arith.constant 0 : i32
      %dma_wait3A_160 = arith.constant 0 : i32
      %dma_wait3A_161 = tpu.memref_slice %arg9[%dma_wait3A_158, %dma_wait3A_159, %dma_wait3A_160] : memref<2x201x64xf32, #tpu.memory_space<vmem>> -> memref<1x201x64xf32, #tpu.memory_space<vmem>>
      %dma_wait3A_162 = tpu.memref_squeeze %dma_wait3A_161 : memref<1x201x64xf32, #tpu.memory_space<vmem>> -> memref<201x64xf32, #tpu.memory_space<vmem>>
      %dma_wait3A_163 = arith.constant 0 : i32
      %dma_wait3A_164 = tpu.memref_slice %arg5[%dma_wait3A_157, %dma_wait3A_163] : memref<2x201xi32, #tpu.memory_space<vmem>> -> memref<1x201xi32, #tpu.memory_space<vmem>>
      %dma_wait3A_165 = tpu.memref_squeeze %dma_wait3A_164 : memref<1x201xi32, #tpu.memory_space<vmem>> -> memref<201xi32, #tpu.memory_space<vmem>>
      %dma_wait3A_166 = arith.constant 0 : i32
      %dma_wait3A_167 = arith.constant 0 : i32
      %dma_wait3A_168 = tpu.memref_slice %arg3[%dma_wait3A_166, %dma_wait3A_167] : memref<100002x64xf32, #tpu.memory_space<hbm>> -> memref<100002x64xf32, #tpu.memory_space<hbm>>
      tpu.wait_indirect_dma semaphore(%arg13 : memref<!tpu.dma_semaphore, #tpu.memory_space<semaphore_mem>>) src(%dma_wait3A_168 : memref<100002x64xf32, #tpu.memory_space<hbm>>) dst(%dma_wait3A_162 : memref<201x64xf32, #tpu.memory_space<vmem>>)
      %add3A_169 = arith.constant 0 : i32
      %add3A_170 = arith.addi %mul3A_144, %add3A_169 : i32
      %mul3A_171 = arith.constant 2 : i32
      %mul3A_172 = arith.muli %add3A_170, %mul3A_171 : i32
      %add3A_173 = arith.addi %mul3A_2, %mul3A_172 : i32
      %dma_start3A_174 = arith.constant 0 : i32
      %dma_start3A_175 = arith.constant 0 : i32
      %dma_start3A_176 = tpu.memref_slice %arg4[%add3A_173, %dma_start3A_174, %dma_start3A_175] : memref<16384x201x64xf32, #tpu.memory_space<hbm>> -> memref<2x201x64xf32, #tpu.memory_space<hbm>>
      %dma_start3A_177 = arith.constant 0 : i32
      %dma_start3A_178 = arith.constant 0 : i32
      %dma_start3A_179 = tpu.memref_slice %arg4[%add3A_173, %dma_start3A_177, %dma_start3A_178] : memref<16384x201x64xf32, #tpu.memory_space<hbm>> -> memref<2x201x64xf32, #tpu.memory_space<hbm>>
      tpu.enqueue_dma source(%arg9 : memref<2x201x64xf32, #tpu.memory_space<vmem>>) target(%dma_start3A_179 : memref<2x201x64xf32, #tpu.memory_space<hbm>>) target_semaphore(%arg17 : memref<!tpu.dma_semaphore, #tpu.memory_space<semaphore_mem>>)
      %dma_wait3A_180 = arith.constant 0 : i32
      %dma_wait3A_181 = arith.constant 0 : i32
      %dma_wait3A_182 = arith.constant 0 : i32
      %dma_wait3A_183 = arith.constant 0 : i32
      %dma_wait3A_184 = tpu.memref_slice %arg10[%dma_wait3A_181, %dma_wait3A_182, %dma_wait3A_183] : memref<2x201x64xf32, #tpu.memory_space<vmem>> -> memref<1x201x64xf32, #tpu.memory_space<vmem>>
      %dma_wait3A_185 = tpu.memref_squeeze %dma_wait3A_184 : memref<1x201x64xf32, #tpu.memory_space<vmem>> -> memref<201x64xf32, #tpu.memory_space<vmem>>
      %dma_wait3A_186 = arith.constant 0 : i32
      %dma_wait3A_187 = tpu.memref_slice %arg6[%dma_wait3A_180, %dma_wait3A_186] : memref<2x201xi32, #tpu.memory_space<vmem>> -> memref<1x201xi32, #tpu.memory_space<vmem>>
      %dma_wait3A_188 = tpu.memref_squeeze %dma_wait3A_187 : memref<1x201xi32, #tpu.memory_space<vmem>> -> memref<201xi32, #tpu.memory_space<vmem>>
      %dma_wait3A_189 = arith.constant 0 : i32
      %dma_wait3A_190 = arith.constant 0 : i32
      %dma_wait3A_191 = tpu.memref_slice %arg3[%dma_wait3A_189, %dma_wait3A_190] : memref<100002x64xf32, #tpu.memory_space<hbm>> -> memref<100002x64xf32, #tpu.memory_space<hbm>>
      tpu.wait_indirect_dma semaphore(%arg14 : memref<!tpu.dma_semaphore, #tpu.memory_space<semaphore_mem>>) src(%dma_wait3A_191 : memref<100002x64xf32, #tpu.memory_space<hbm>>) dst(%dma_wait3A_185 : memref<201x64xf32, #tpu.memory_space<vmem>>)
      %dma_wait3A_192 = arith.constant 1 : i32
      %dma_wait3A_193 = arith.constant 1 : i32
      %dma_wait3A_194 = arith.constant 0 : i32
      %dma_wait3A_195 = arith.constant 0 : i32
      %dma_wait3A_196 = tpu.memref_slice %arg10[%dma_wait3A_193, %dma_wait3A_194, %dma_wait3A_195] : memref<2x201x64xf32, #tpu.memory_space<vmem>> -> memref<1x201x64xf32, #tpu.memory_space<vmem>>
      %dma_wait3A_197 = tpu.memref_squeeze %dma_wait3A_196 : memref<1x201x64xf32, #tpu.memory_space<vmem>> -> memref<201x64xf32, #tpu.memory_space<vmem>>
      %dma_wait3A_198 = arith.constant 0 : i32
      %dma_wait3A_199 = tpu.memref_slice %arg6[%dma_wait3A_192, %dma_wait3A_198] : memref<2x201xi32, #tpu.memory_space<vmem>> -> memref<1x201xi32, #tpu.memory_space<vmem>>
      %dma_wait3A_200 = tpu.memref_squeeze %dma_wait3A_199 : memref<1x201xi32, #tpu.memory_space<vmem>> -> memref<201xi32, #tpu.memory_space<vmem>>
      %dma_wait3A_201 = arith.constant 0 : i32
      %dma_wait3A_202 = arith.constant 0 : i32
      %dma_wait3A_203 = tpu.memref_slice %arg3[%dma_wait3A_201, %dma_wait3A_202] : memref<100002x64xf32, #tpu.memory_space<hbm>> -> memref<100002x64xf32, #tpu.memory_space<hbm>>
      tpu.wait_indirect_dma semaphore(%arg14 : memref<!tpu.dma_semaphore, #tpu.memory_space<semaphore_mem>>) src(%dma_wait3A_203 : memref<100002x64xf32, #tpu.memory_space<hbm>>) dst(%dma_wait3A_197 : memref<201x64xf32, #tpu.memory_space<vmem>>)
      %add3A_204 = arith.constant 1 : i32
      %add3A_205 = arith.addi %mul3A_144, %add3A_204 : i32
      %mul3A_206 = arith.constant 2 : i32
      %mul3A_207 = arith.muli %add3A_205, %mul3A_206 : i32
      %add3A_208 = arith.addi %mul3A_2, %mul3A_207 : i32
      %dma_start3A_209 = arith.constant 0 : i32
      %dma_start3A_210 = arith.constant 0 : i32
      %dma_start3A_211 = tpu.memref_slice %arg4[%add3A_208, %dma_start3A_209, %dma_start3A_210] : memref<16384x201x64xf32, #tpu.memory_space<hbm>> -> memref<2x201x64xf32, #tpu.memory_space<hbm>>
      %dma_start3A_212 = arith.constant 0 : i32
      %dma_start3A_213 = arith.constant 0 : i32
      %dma_start3A_214 = tpu.memref_slice %arg4[%add3A_208, %dma_start3A_212, %dma_start3A_213] : memref<16384x201x64xf32, #tpu.memory_space<hbm>> -> memref<2x201x64xf32, #tpu.memory_space<hbm>>
      tpu.enqueue_dma source(%arg10 : memref<2x201x64xf32, #tpu.memory_space<vmem>>) target(%dma_start3A_214 : memref<2x201x64xf32, #tpu.memory_space<hbm>>) target_semaphore(%arg18 : memref<!tpu.dma_semaphore, #tpu.memory_space<semaphore_mem>>)
      %dma_wait3A_215 = arith.constant 0 : i32
      %dma_wait3A_216 = arith.constant 0 : i32
      %dma_wait3A_217 = arith.constant 0 : i32
      %dma_wait3A_218 = arith.constant 0 : i32
      %dma_wait3A_219 = tpu.memref_slice %arg11[%dma_wait3A_216, %dma_wait3A_217, %dma_wait3A_218] : memref<2x201x64xf32, #tpu.memory_space<vmem>> -> memref<1x201x64xf32, #tpu.memory_space<vmem>>
      %dma_wait3A_220 = tpu.memref_squeeze %dma_wait3A_219 : memref<1x201x64xf32, #tpu.memory_space<vmem>> -> memref<201x64xf32, #tpu.memory_space<vmem>>
      %dma_wait3A_221 = arith.constant 0 : i32
      %dma_wait3A_222 = tpu.memref_slice %arg7[%dma_wait3A_215, %dma_wait3A_221] : memref<2x201xi32, #tpu.memory_space<vmem>> -> memref<1x201xi32, #tpu.memory_space<vmem>>
      %dma_wait3A_223 = tpu.memref_squeeze %dma_wait3A_222 : memref<1x201xi32, #tpu.memory_space<vmem>> -> memref<201xi32, #tpu.memory_space<vmem>>
      %dma_wait3A_224 = arith.constant 0 : i32
      %dma_wait3A_225 = arith.constant 0 : i32
      %dma_wait3A_226 = tpu.memref_slice %arg3[%dma_wait3A_224, %dma_wait3A_225] : memref<100002x64xf32, #tpu.memory_space<hbm>> -> memref<100002x64xf32, #tpu.memory_space<hbm>>
      tpu.wait_indirect_dma semaphore(%arg15 : memref<!tpu.dma_semaphore, #tpu.memory_space<semaphore_mem>>) src(%dma_wait3A_226 : memref<100002x64xf32, #tpu.memory_space<hbm>>) dst(%dma_wait3A_220 : memref<201x64xf32, #tpu.memory_space<vmem>>)
      %dma_wait3A_227 = arith.constant 1 : i32
      %dma_wait3A_228 = arith.constant 1 : i32
      %dma_wait3A_229 = arith.constant 0 : i32
      %dma_wait3A_230 = arith.constant 0 : i32
      %dma_wait3A_231 = tpu.memref_slice %arg11[%dma_wait3A_228, %dma_wait3A_229, %dma_wait3A_230] : memref<2x201x64xf32, #tpu.memory_space<vmem>> -> memref<1x201x64xf32, #tpu.memory_space<vmem>>
      %dma_wait3A_232 = tpu.memref_squeeze %dma_wait3A_231 : memref<1x201x64xf32, #tpu.memory_space<vmem>> -> memref<201x64xf32, #tpu.memory_space<vmem>>
      %dma_wait3A_233 = arith.constant 0 : i32
      %dma_wait3A_234 = tpu.memref_slice %arg7[%dma_wait3A_227, %dma_wait3A_233] : memref<2x201xi32, #tpu.memory_space<vmem>> -> memref<1x201xi32, #tpu.memory_space<vmem>>
      %dma_wait3A_235 = tpu.memref_squeeze %dma_wait3A_234 : memref<1x201xi32, #tpu.memory_space<vmem>> -> memref<201xi32, #tpu.memory_space<vmem>>
      %dma_wait3A_236 = arith.constant 0 : i32
      %dma_wait3A_237 = arith.constant 0 : i32
      %dma_wait3A_238 = tpu.memref_slice %arg3[%dma_wait3A_236, %dma_wait3A_237] : memref<100002x64xf32, #tpu.memory_space<hbm>> -> memref<100002x64xf32, #tpu.memory_space<hbm>>
      tpu.wait_indirect_dma semaphore(%arg15 : memref<!tpu.dma_semaphore, #tpu.memory_space<semaphore_mem>>) src(%dma_wait3A_238 : memref<100002x64xf32, #tpu.memory_space<hbm>>) dst(%dma_wait3A_232 : memref<201x64xf32, #tpu.memory_space<vmem>>)
      %add3A_239 = arith.constant 2 : i32
      %add3A_240 = arith.addi %mul3A_144, %add3A_239 : i32
      %mul3A_241 = arith.constant 2 : i32
      %mul3A_242 = arith.muli %add3A_240, %mul3A_241 : i32
      %add3A_243 = arith.addi %mul3A_2, %mul3A_242 : i32
      %dma_start3A_244 = arith.constant 0 : i32
      %dma_start3A_245 = arith.constant 0 : i32
      %dma_start3A_246 = tpu.memref_slice %arg4[%add3A_243, %dma_start3A_244, %dma_start3A_245] : memref<16384x201x64xf32, #tpu.memory_space<hbm>> -> memref<2x201x64xf32, #tpu.memory_space<hbm>>
      %dma_start3A_247 = arith.constant 0 : i32
      %dma_start3A_248 = arith.constant 0 : i32
      %dma_start3A_249 = tpu.memref_slice %arg4[%add3A_243, %dma_start3A_247, %dma_start3A_248] : memref<16384x201x64xf32, #tpu.memory_space<hbm>> -> memref<2x201x64xf32, #tpu.memory_space<hbm>>
      tpu.enqueue_dma source(%arg11 : memref<2x201x64xf32, #tpu.memory_space<vmem>>) target(%dma_start3A_249 : memref<2x201x64xf32, #tpu.memory_space<hbm>>) target_semaphore(%arg19 : memref<!tpu.dma_semaphore, #tpu.memory_space<semaphore_mem>>)
      %dma_wait3A_250 = arith.constant 0 : i32
      %dma_wait3A_251 = arith.constant 0 : i32
      %dma_wait3A_252 = arith.constant 0 : i32
      %dma_wait3A_253 = arith.constant 0 : i32
      %dma_wait3A_254 = tpu.memref_slice %arg12[%dma_wait3A_251, %dma_wait3A_252, %dma_wait3A_253] : memref<2x201x64xf32, #tpu.memory_space<vmem>> -> memref<1x201x64xf32, #tpu.memory_space<vmem>>
      %dma_wait3A_255 = tpu.memref_squeeze %dma_wait3A_254 : memref<1x201x64xf32, #tpu.memory_space<vmem>> -> memref<201x64xf32, #tpu.memory_space<vmem>>
      %dma_wait3A_256 = arith.constant 0 : i32
      %dma_wait3A_257 = tpu.memref_slice %arg8[%dma_wait3A_250, %dma_wait3A_256] : memref<2x201xi32, #tpu.memory_space<vmem>> -> memref<1x201xi32, #tpu.memory_space<vmem>>
      %dma_wait3A_258 = tpu.memref_squeeze %dma_wait3A_257 : memref<1x201xi32, #tpu.memory_space<vmem>> -> memref<201xi32, #tpu.memory_space<vmem>>
      %dma_wait3A_259 = arith.constant 0 : i32
      %dma_wait3A_260 = arith.constant 0 : i32
      %dma_wait3A_261 = tpu.memref_slice %arg3[%dma_wait3A_259, %dma_wait3A_260] : memref<100002x64xf32, #tpu.memory_space<hbm>> -> memref<100002x64xf32, #tpu.memory_space<hbm>>
      tpu.wait_indirect_dma semaphore(%arg16 : memref<!tpu.dma_semaphore, #tpu.memory_space<semaphore_mem>>) src(%dma_wait3A_261 : memref<100002x64xf32, #tpu.memory_space<hbm>>) dst(%dma_wait3A_255 : memref<201x64xf32, #tpu.memory_space<vmem>>)
      %dma_wait3A_262 = arith.constant 1 : i32
      %dma_wait3A_263 = arith.constant 1 : i32
      %dma_wait3A_264 = arith.constant 0 : i32
      %dma_wait3A_265 = arith.constant 0 : i32
      %dma_wait3A_266 = tpu.memref_slice %arg12[%dma_wait3A_263, %dma_wait3A_264, %dma_wait3A_265] : memref<2x201x64xf32, #tpu.memory_space<vmem>> -> memref<1x201x64xf32, #tpu.memory_space<vmem>>
      %dma_wait3A_267 = tpu.memref_squeeze %dma_wait3A_266 : memref<1x201x64xf32, #tpu.memory_space<vmem>> -> memref<201x64xf32, #tpu.memory_space<vmem>>
      %dma_wait3A_268 = arith.constant 0 : i32
      %dma_wait3A_269 = tpu.memref_slice %arg8[%dma_wait3A_262, %dma_wait3A_268] : memref<2x201xi32, #tpu.memory_space<vmem>> -> memref<1x201xi32, #tpu.memory_space<vmem>>
      %dma_wait3A_270 = tpu.memref_squeeze %dma_wait3A_269 : memref<1x201xi32, #tpu.memory_space<vmem>> -> memref<201xi32, #tpu.memory_space<vmem>>
      %dma_wait3A_271 = arith.constant 0 : i32
      %dma_wait3A_272 = arith.constant 0 : i32
      %dma_wait3A_273 = tpu.memref_slice %arg3[%dma_wait3A_271, %dma_wait3A_272] : memref<100002x64xf32, #tpu.memory_space<hbm>> -> memref<100002x64xf32, #tpu.memory_space<hbm>>
      tpu.wait_indirect_dma semaphore(%arg16 : memref<!tpu.dma_semaphore, #tpu.memory_space<semaphore_mem>>) src(%dma_wait3A_273 : memref<100002x64xf32, #tpu.memory_space<hbm>>) dst(%dma_wait3A_267 : memref<201x64xf32, #tpu.memory_space<vmem>>)
      %add3A_274 = arith.constant 3 : i32
      %add3A_275 = arith.addi %mul3A_144, %add3A_274 : i32
      %mul3A_276 = arith.constant 2 : i32
      %mul3A_277 = arith.muli %add3A_275, %mul3A_276 : i32
      %add3A_278 = arith.addi %mul3A_2, %mul3A_277 : i32
      %dma_start3A_279 = arith.constant 0 : i32
      %dma_start3A_280 = arith.constant 0 : i32
      %dma_start3A_281 = tpu.memref_slice %arg4[%add3A_278, %dma_start3A_279, %dma_start3A_280] : memref<16384x201x64xf32, #tpu.memory_space<hbm>> -> memref<2x201x64xf32, #tpu.memory_space<hbm>>
      %dma_start3A_282 = arith.constant 0 : i32
      %dma_start3A_283 = arith.constant 0 : i32
      %dma_start3A_284 = tpu.memref_slice %arg4[%add3A_278, %dma_start3A_282, %dma_start3A_283] : memref<16384x201x64xf32, #tpu.memory_space<hbm>> -> memref<2x201x64xf32, #tpu.memory_space<hbm>>
      tpu.enqueue_dma source(%arg12 : memref<2x201x64xf32, #tpu.memory_space<vmem>>) target(%dma_start3A_284 : memref<2x201x64xf32, #tpu.memory_space<hbm>>) target_semaphore(%arg20 : memref<!tpu.dma_semaphore, #tpu.memory_space<semaphore_mem>>)
      %lt3A = arith.constant 63 : i32
      %lt3A_285 = arith.cmpi slt, %scan3A_142, %lt3A : i32
      %convert_element_type3A = arith.extui %lt3A_285 : i1 to i32
      %cond3A = arith.constant 0 : i32
      %cond3A_286 = arith.cmpi ne, %convert_element_type3A, %cond3A : i32
      scf.if %cond3A_286 {
        %add3A_287 = arith.constant 0 : i32
        %add3A_288 = arith.addi %mul3A_144, %add3A_287 : i32
        %mul3A_289 = arith.constant 2 : i32
        %mul3A_290 = arith.muli %add3A_288, %mul3A_289 : i32
        %add3A_291 = arith.addi %mul3A_2, %mul3A_290 : i32
        %dma_wait3A_292 = arith.constant 0 : i32
        %dma_wait3A_293 = arith.constant 0 : i32
        %dma_wait3A_294 = tpu.memref_slice %arg4[%add3A_291, %dma_wait3A_292, %dma_wait3A_293] : memref<16384x201x64xf32, #tpu.memory_space<hbm>> -> memref<2x201x64xf32, #tpu.memory_space<hbm>>
        %dma_wait3A_295 = arith.constant 0 : i32
        %dma_wait3A_296 = arith.constant 0 : i32
        %dma_wait3A_297 = tpu.memref_slice %arg4[%add3A_291, %dma_wait3A_295, %dma_wait3A_296] : memref<16384x201x64xf32, #tpu.memory_space<hbm>> -> memref<2x201x64xf32, #tpu.memory_space<hbm>>
        tpu.wait_dma2 semaphore(%arg17 : memref<!tpu.dma_semaphore, #tpu.memory_space<semaphore_mem>>) src(%arg9 : memref<2x201x64xf32, #tpu.memory_space<vmem>>) dst(%dma_wait3A_297 : memref<2x201x64xf32, #tpu.memory_space<hbm>>)
        %add3A_298 = arith.constant 4 : i32
        %add3A_299 = arith.addi %mul3A_144, %add3A_298 : i32
        %add3A_300 = arith.constant 0 : i32
        %add3A_301 = arith.addi %add3A_299, %add3A_300 : i32
        %mul3A_302 = arith.constant 2 : i32
        %mul3A_303 = arith.muli %add3A_301, %mul3A_302 : i32
        %add3A_304 = arith.addi %mul3A_2, %mul3A_303 : i32
        "tpu.region"() ({
          %run_scoped3A = tpu.sem_alloc : memref<!tpu.dma_semaphore, #tpu.memory_space<semaphore_mem>>
          %dma_start3A_455 = arith.constant 0 : i32
          %dma_start3A_456 = tpu.memref_slice %arg2[%add3A_304, %dma_start3A_455] : memref<16384x201xi32, #tpu.memory_space<hbm>> -> memref<2x201xi32, #tpu.memory_space<hbm>>
          %dma_start3A_457 = arith.constant 0 : i32
          %dma_start3A_458 = tpu.memref_slice %arg2[%add3A_304, %dma_start3A_457] : memref<16384x201xi32, #tpu.memory_space<hbm>> -> memref<2x201xi32, #tpu.memory_space<hbm>>
          tpu.enqueue_dma source(%dma_start3A_458 : memref<2x201xi32, #tpu.memory_space<hbm>>) target(%arg5 : memref<2x201xi32, #tpu.memory_space<vmem>>) target_semaphore(%run_scoped3A : memref<!tpu.dma_semaphore, #tpu.memory_space<semaphore_mem>>)
          %dma_wait3A_459 = arith.constant 0 : i32
          %dma_wait3A_460 = tpu.memref_slice %arg2[%add3A_304, %dma_wait3A_459] : memref<16384x201xi32, #tpu.memory_space<hbm>> -> memref<2x201xi32, #tpu.memory_space<hbm>>
          %dma_wait3A_461 = arith.constant 0 : i32
          %dma_wait3A_462 = tpu.memref_slice %arg2[%add3A_304, %dma_wait3A_461] : memref<16384x201xi32, #tpu.memory_space<hbm>> -> memref<2x201xi32, #tpu.memory_space<hbm>>
          tpu.wait_dma2 semaphore(%run_scoped3A : memref<!tpu.dma_semaphore, #tpu.memory_space<semaphore_mem>>) src(%dma_wait3A_462 : memref<2x201xi32, #tpu.memory_space<hbm>>) dst(%arg5 : memref<2x201xi32, #tpu.memory_space<vmem>>)
          tpu.yield
        }) : () -> ()
        %dma_start3A_305 = arith.constant 0 : i32
        %dma_start3A_306 = arith.constant 0 : i32
        %dma_start3A_307 = arith.constant 0 : i32
        %dma_start3A_308 = arith.constant 0 : i32
        %dma_start3A_309 = tpu.memref_slice %arg9[%dma_start3A_306, %dma_start3A_307, %dma_start3A_308] : memref<2x201x64xf32, #tpu.memory_space<vmem>> -> memref<1x201x64xf32, #tpu.memory_space<vmem>>
        %dma_start3A_310 = tpu.memref_squeeze %dma_start3A_309 : memref<1x201x64xf32, #tpu.memory_space<vmem>> -> memref<201x64xf32, #tpu.memory_space<vmem>>
        %dma_start3A_311 = arith.constant 0 : i32
        %dma_start3A_312 = tpu.memref_slice %arg5[%dma_start3A_305, %dma_start3A_311] : memref<2x201xi32, #tpu.memory_space<vmem>> -> memref<1x201xi32, #tpu.memory_space<vmem>>
        %dma_start3A_313 = tpu.memref_squeeze %dma_start3A_312 : memref<1x201xi32, #tpu.memory_space<vmem>> -> memref<201xi32, #tpu.memory_space<vmem>>
        %dma_start3A_314 = arith.constant 0 : i32
        %dma_start3A_315 = arith.constant 0 : i32
        %dma_start3A_316 = tpu.memref_slice %arg3[%dma_start3A_314, %dma_start3A_315] : memref<100002x64xf32, #tpu.memory_space<hbm>> -> memref<100002x64xf32, #tpu.memory_space<hbm>>
        tpu.enqueue_indirect_dma source(%dma_start3A_316 : memref<100002x64xf32, #tpu.memory_space<hbm>>) target(%dma_start3A_310 : memref<201x64xf32, #tpu.memory_space<vmem>>) offsets(%dma_start3A_313 : memref<201xi32, #tpu.memory_space<vmem>>) semaphore(%arg13 : memref<!tpu.dma_semaphore, #tpu.memory_space<semaphore_mem>>)
        %dma_start3A_317 = arith.constant 1 : i32
        %dma_start3A_318 = arith.constant 1 : i32
        %dma_start3A_319 = arith.constant 0 : i32
        %dma_start3A_320 = arith.constant 0 : i32
        %dma_start3A_321 = tpu.memref_slice %arg9[%dma_start3A_318, %dma_start3A_319, %dma_start3A_320] : memref<2x201x64xf32, #tpu.memory_space<vmem>> -> memref<1x201x64xf32, #tpu.memory_space<vmem>>
        %dma_start3A_322 = tpu.memref_squeeze %dma_start3A_321 : memref<1x201x64xf32, #tpu.memory_space<vmem>> -> memref<201x64xf32, #tpu.memory_space<vmem>>
        %dma_start3A_323 = arith.constant 0 : i32
        %dma_start3A_324 = tpu.memref_slice %arg5[%dma_start3A_317, %dma_start3A_323] : memref<2x201xi32, #tpu.memory_space<vmem>> -> memref<1x201xi32, #tpu.memory_space<vmem>>
        %dma_start3A_325 = tpu.memref_squeeze %dma_start3A_324 : memref<1x201xi32, #tpu.memory_space<vmem>> -> memref<201xi32, #tpu.memory_space<vmem>>
        %dma_start3A_326 = arith.constant 0 : i32
        %dma_start3A_327 = arith.constant 0 : i32
        %dma_start3A_328 = tpu.memref_slice %arg3[%dma_start3A_326, %dma_start3A_327] : memref<100002x64xf32, #tpu.memory_space<hbm>> -> memref<100002x64xf32, #tpu.memory_space<hbm>>
        tpu.enqueue_indirect_dma source(%dma_start3A_328 : memref<100002x64xf32, #tpu.memory_space<hbm>>) target(%dma_start3A_322 : memref<201x64xf32, #tpu.memory_space<vmem>>) offsets(%dma_start3A_325 : memref<201xi32, #tpu.memory_space<vmem>>) semaphore(%arg13 : memref<!tpu.dma_semaphore, #tpu.memory_space<semaphore_mem>>)
        %add3A_329 = arith.constant 1 : i32
        %add3A_330 = arith.addi %mul3A_144, %add3A_329 : i32
        %mul3A_331 = arith.constant 2 : i32
        %mul3A_332 = arith.muli %add3A_330, %mul3A_331 : i32
        %add3A_333 = arith.addi %mul3A_2, %mul3A_332 : i32
        %dma_wait3A_334 = arith.constant 0 : i32
        %dma_wait3A_335 = arith.constant 0 : i32
        %dma_wait3A_336 = tpu.memref_slice %arg4[%add3A_333, %dma_wait3A_334, %dma_wait3A_335] : memref<16384x201x64xf32, #tpu.memory_space<hbm>> -> memref<2x201x64xf32, #tpu.memory_space<hbm>>
        %dma_wait3A_337 = arith.constant 0 : i32
        %dma_wait3A_338 = arith.constant 0 : i32
        %dma_wait3A_339 = tpu.memref_slice %arg4[%add3A_333, %dma_wait3A_337, %dma_wait3A_338] : memref<16384x201x64xf32, #tpu.memory_space<hbm>> -> memref<2x201x64xf32, #tpu.memory_space<hbm>>
        tpu.wait_dma2 semaphore(%arg18 : memref<!tpu.dma_semaphore, #tpu.memory_space<semaphore_mem>>) src(%arg10 : memref<2x201x64xf32, #tpu.memory_space<vmem>>) dst(%dma_wait3A_339 : memref<2x201x64xf32, #tpu.memory_space<hbm>>)
        %add3A_340 = arith.constant 4 : i32
        %add3A_341 = arith.addi %mul3A_144, %add3A_340 : i32
        %add3A_342 = arith.constant 1 : i32
        %add3A_343 = arith.addi %add3A_341, %add3A_342 : i32
        %mul3A_344 = arith.constant 2 : i32
        %mul3A_345 = arith.muli %add3A_343, %mul3A_344 : i32
        %add3A_346 = arith.addi %mul3A_2, %mul3A_345 : i32
        "tpu.region"() ({
          %run_scoped3A = tpu.sem_alloc : memref<!tpu.dma_semaphore, #tpu.memory_space<semaphore_mem>>
          %dma_start3A_455 = arith.constant 0 : i32
          %dma_start3A_456 = tpu.memref_slice %arg2[%add3A_346, %dma_start3A_455] : memref<16384x201xi32, #tpu.memory_space<hbm>> -> memref<2x201xi32, #tpu.memory_space<hbm>>
          %dma_start3A_457 = arith.constant 0 : i32
          %dma_start3A_458 = tpu.memref_slice %arg2[%add3A_346, %dma_start3A_457] : memref<16384x201xi32, #tpu.memory_space<hbm>> -> memref<2x201xi32, #tpu.memory_space<hbm>>
          tpu.enqueue_dma source(%dma_start3A_458 : memref<2x201xi32, #tpu.memory_space<hbm>>) target(%arg6 : memref<2x201xi32, #tpu.memory_space<vmem>>) target_semaphore(%run_scoped3A : memref<!tpu.dma_semaphore, #tpu.memory_space<semaphore_mem>>)
          %dma_wait3A_459 = arith.constant 0 : i32
          %dma_wait3A_460 = tpu.memref_slice %arg2[%add3A_346, %dma_wait3A_459] : memref<16384x201xi32, #tpu.memory_space<hbm>> -> memref<2x201xi32, #tpu.memory_space<hbm>>
          %dma_wait3A_461 = arith.constant 0 : i32
          %dma_wait3A_462 = tpu.memref_slice %arg2[%add3A_346, %dma_wait3A_461] : memref<16384x201xi32, #tpu.memory_space<hbm>> -> memref<2x201xi32, #tpu.memory_space<hbm>>
          tpu.wait_dma2 semaphore(%run_scoped3A : memref<!tpu.dma_semaphore, #tpu.memory_space<semaphore_mem>>) src(%dma_wait3A_462 : memref<2x201xi32, #tpu.memory_space<hbm>>) dst(%arg6 : memref<2x201xi32, #tpu.memory_space<vmem>>)
          tpu.yield
        }) : () -> ()
        %dma_start3A_347 = arith.constant 0 : i32
        %dma_start3A_348 = arith.constant 0 : i32
        %dma_start3A_349 = arith.constant 0 : i32
        %dma_start3A_350 = arith.constant 0 : i32
        %dma_start3A_351 = tpu.memref_slice %arg10[%dma_start3A_348, %dma_start3A_349, %dma_start3A_350] : memref<2x201x64xf32, #tpu.memory_space<vmem>> -> memref<1x201x64xf32, #tpu.memory_space<vmem>>
        %dma_start3A_352 = tpu.memref_squeeze %dma_start3A_351 : memref<1x201x64xf32, #tpu.memory_space<vmem>> -> memref<201x64xf32, #tpu.memory_space<vmem>>
        %dma_start3A_353 = arith.constant 0 : i32
        %dma_start3A_354 = tpu.memref_slice %arg6[%dma_start3A_347, %dma_start3A_353] : memref<2x201xi32, #tpu.memory_space<vmem>> -> memref<1x201xi32, #tpu.memory_space<vmem>>
        %dma_start3A_355 = tpu.memref_squeeze %dma_start3A_354 : memref<1x201xi32, #tpu.memory_space<vmem>> -> memref<201xi32, #tpu.memory_space<vmem>>
        %dma_start3A_356 = arith.constant 0 : i32
        %dma_start3A_357 = arith.constant 0 : i32
        %dma_start3A_358 = tpu.memref_slice %arg3[%dma_start3A_356, %dma_start3A_357] : memref<100002x64xf32, #tpu.memory_space<hbm>> -> memref<100002x64xf32, #tpu.memory_space<hbm>>
        tpu.enqueue_indirect_dma source(%dma_start3A_358 : memref<100002x64xf32, #tpu.memory_space<hbm>>) target(%dma_start3A_352 : memref<201x64xf32, #tpu.memory_space<vmem>>) offsets(%dma_start3A_355 : memref<201xi32, #tpu.memory_space<vmem>>) semaphore(%arg14 : memref<!tpu.dma_semaphore, #tpu.memory_space<semaphore_mem>>)
        %dma_start3A_359 = arith.constant 1 : i32
        %dma_start3A_360 = arith.constant 1 : i32
        %dma_start3A_361 = arith.constant 0 : i32
        %dma_start3A_362 = arith.constant 0 : i32
        %dma_start3A_363 = tpu.memref_slice %arg10[%dma_start3A_360, %dma_start3A_361, %dma_start3A_362] : memref<2x201x64xf32, #tpu.memory_space<vmem>> -> memref<1x201x64xf32, #tpu.memory_space<vmem>>
        %dma_start3A_364 = tpu.memref_squeeze %dma_start3A_363 : memref<1x201x64xf32, #tpu.memory_space<vmem>> -> memref<201x64xf32, #tpu.memory_space<vmem>>
        %dma_start3A_365 = arith.constant 0 : i32
        %dma_start3A_366 = tpu.memref_slice %arg6[%dma_start3A_359, %dma_start3A_365] : memref<2x201xi32, #tpu.memory_space<vmem>> -> memref<1x201xi32, #tpu.memory_space<vmem>>
        %dma_start3A_367 = tpu.memref_squeeze %dma_start3A_366 : memref<1x201xi32, #tpu.memory_space<vmem>> -> memref<201xi32, #tpu.memory_space<vmem>>
        %dma_start3A_368 = arith.constant 0 : i32
        %dma_start3A_369 = arith.constant 0 : i32
        %dma_start3A_370 = tpu.memref_slice %arg3[%dma_start3A_368, %dma_start3A_369] : memref<100002x64xf32, #tpu.memory_space<hbm>> -> memref<100002x64xf32, #tpu.memory_space<hbm>>
        tpu.enqueue_indirect_dma source(%dma_start3A_370 : memref<100002x64xf32, #tpu.memory_space<hbm>>) target(%dma_start3A_364 : memref<201x64xf32, #tpu.memory_space<vmem>>) offsets(%dma_start3A_367 : memref<201xi32, #tpu.memory_space<vmem>>) semaphore(%arg14 : memref<!tpu.dma_semaphore, #tpu.memory_space<semaphore_mem>>)
        %add3A_371 = arith.constant 2 : i32
        %add3A_372 = arith.addi %mul3A_144, %add3A_371 : i32
        %mul3A_373 = arith.constant 2 : i32
        %mul3A_374 = arith.muli %add3A_372, %mul3A_373 : i32
        %add3A_375 = arith.addi %mul3A_2, %mul3A_374 : i32
        %dma_wait3A_376 = arith.constant 0 : i32
        %dma_wait3A_377 = arith.constant 0 : i32
        %dma_wait3A_378 = tpu.memref_slice %arg4[%add3A_375, %dma_wait3A_376, %dma_wait3A_377] : memref<16384x201x64xf32, #tpu.memory_space<hbm>> -> memref<2x201x64xf32, #tpu.memory_space<hbm>>
        %dma_wait3A_379 = arith.constant 0 : i32
        %dma_wait3A_380 = arith.constant 0 : i32
        %dma_wait3A_381 = tpu.memref_slice %arg4[%add3A_375, %dma_wait3A_379, %dma_wait3A_380] : memref<16384x201x64xf32, #tpu.memory_space<hbm>> -> memref<2x201x64xf32, #tpu.memory_space<hbm>>
        tpu.wait_dma2 semaphore(%arg19 : memref<!tpu.dma_semaphore, #tpu.memory_space<semaphore_mem>>) src(%arg11 : memref<2x201x64xf32, #tpu.memory_space<vmem>>) dst(%dma_wait3A_381 : memref<2x201x64xf32, #tpu.memory_space<hbm>>)
        %add3A_382 = arith.constant 4 : i32
        %add3A_383 = arith.addi %mul3A_144, %add3A_382 : i32
        %add3A_384 = arith.constant 2 : i32
        %add3A_385 = arith.addi %add3A_383, %add3A_384 : i32
        %mul3A_386 = arith.constant 2 : i32
        %mul3A_387 = arith.muli %add3A_385, %mul3A_386 : i32
        %add3A_388 = arith.addi %mul3A_2, %mul3A_387 : i32
        "tpu.region"() ({
          %run_scoped3A = tpu.sem_alloc : memref<!tpu.dma_semaphore, #tpu.memory_space<semaphore_mem>>
          %dma_start3A_455 = arith.constant 0 : i32
          %dma_start3A_456 = tpu.memref_slice %arg2[%add3A_388, %dma_start3A_455] : memref<16384x201xi32, #tpu.memory_space<hbm>> -> memref<2x201xi32, #tpu.memory_space<hbm>>
          %dma_start3A_457 = arith.constant 0 : i32
          %dma_start3A_458 = tpu.memref_slice %arg2[%add3A_388, %dma_start3A_457] : memref<16384x201xi32, #tpu.memory_space<hbm>> -> memref<2x201xi32, #tpu.memory_space<hbm>>
          tpu.enqueue_dma source(%dma_start3A_458 : memref<2x201xi32, #tpu.memory_space<hbm>>) target(%arg7 : memref<2x201xi32, #tpu.memory_space<vmem>>) target_semaphore(%run_scoped3A : memref<!tpu.dma_semaphore, #tpu.memory_space<semaphore_mem>>)
          %dma_wait3A_459 = arith.constant 0 : i32
          %dma_wait3A_460 = tpu.memref_slice %arg2[%add3A_388, %dma_wait3A_459] : memref<16384x201xi32, #tpu.memory_space<hbm>> -> memref<2x201xi32, #tpu.memory_space<hbm>>
          %dma_wait3A_461 = arith.constant 0 : i32
          %dma_wait3A_462 = tpu.memref_slice %arg2[%add3A_388, %dma_wait3A_461] : memref<16384x201xi32, #tpu.memory_space<hbm>> -> memref<2x201xi32, #tpu.memory_space<hbm>>
          tpu.wait_dma2 semaphore(%run_scoped3A : memref<!tpu.dma_semaphore, #tpu.memory_space<semaphore_mem>>) src(%dma_wait3A_462 : memref<2x201xi32, #tpu.memory_space<hbm>>) dst(%arg7 : memref<2x201xi32, #tpu.memory_space<vmem>>)
          tpu.yield
        }) : () -> ()
        %dma_start3A_389 = arith.constant 0 : i32
        %dma_start3A_390 = arith.constant 0 : i32
        %dma_start3A_391 = arith.constant 0 : i32
        %dma_start3A_392 = arith.constant 0 : i32
        %dma_start3A_393 = tpu.memref_slice %arg11[%dma_start3A_390, %dma_start3A_391, %dma_start3A_392] : memref<2x201x64xf32, #tpu.memory_space<vmem>> -> memref<1x201x64xf32, #tpu.memory_space<vmem>>
        %dma_start3A_394 = tpu.memref_squeeze %dma_start3A_393 : memref<1x201x64xf32, #tpu.memory_space<vmem>> -> memref<201x64xf32, #tpu.memory_space<vmem>>
        %dma_start3A_395 = arith.constant 0 : i32
        %dma_start3A_396 = tpu.memref_slice %arg7[%dma_start3A_389, %dma_start3A_395] : memref<2x201xi32, #tpu.memory_space<vmem>> -> memref<1x201xi32, #tpu.memory_space<vmem>>
        %dma_start3A_397 = tpu.memref_squeeze %dma_start3A_396 : memref<1x201xi32, #tpu.memory_space<vmem>> -> memref<201xi32, #tpu.memory_space<vmem>>
        %dma_start3A_398 = arith.constant 0 : i32
        %dma_start3A_399 = arith.constant 0 : i32
        %dma_start3A_400 = tpu.memref_slice %arg3[%dma_start3A_398, %dma_start3A_399] : memref<100002x64xf32, #tpu.memory_space<hbm>> -> memref<100002x64xf32, #tpu.memory_space<hbm>>
        tpu.enqueue_indirect_dma source(%dma_start3A_400 : memref<100002x64xf32, #tpu.memory_space<hbm>>) target(%dma_start3A_394 : memref<201x64xf32, #tpu.memory_space<vmem>>) offsets(%dma_start3A_397 : memref<201xi32, #tpu.memory_space<vmem>>) semaphore(%arg15 : memref<!tpu.dma_semaphore, #tpu.memory_space<semaphore_mem>>)
        %dma_start3A_401 = arith.constant 1 : i32
        %dma_start3A_402 = arith.constant 1 : i32
        %dma_start3A_403 = arith.constant 0 : i32
        %dma_start3A_404 = arith.constant 0 : i32
        %dma_start3A_405 = tpu.memref_slice %arg11[%dma_start3A_402, %dma_start3A_403, %dma_start3A_404] : memref<2x201x64xf32, #tpu.memory_space<vmem>> -> memref<1x201x64xf32, #tpu.memory_space<vmem>>
        %dma_start3A_406 = tpu.memref_squeeze %dma_start3A_405 : memref<1x201x64xf32, #tpu.memory_space<vmem>> -> memref<201x64xf32, #tpu.memory_space<vmem>>
        %dma_start3A_407 = arith.constant 0 : i32
        %dma_start3A_408 = tpu.memref_slice %arg7[%dma_start3A_401, %dma_start3A_407] : memref<2x201xi32, #tpu.memory_space<vmem>> -> memref<1x201xi32, #tpu.memory_space<vmem>>
        %dma_start3A_409 = tpu.memref_squeeze %dma_start3A_408 : memref<1x201xi32, #tpu.memory_space<vmem>> -> memref<201xi32, #tpu.memory_space<vmem>>
        %dma_start3A_410 = arith.constant 0 : i32
        %dma_start3A_411 = arith.constant 0 : i32
        %dma_start3A_412 = tpu.memref_slice %arg3[%dma_start3A_410, %dma_start3A_411] : memref<100002x64xf32, #tpu.memory_space<hbm>> -> memref<100002x64xf32, #tpu.memory_space<hbm>>
        tpu.enqueue_indirect_dma source(%dma_start3A_412 : memref<100002x64xf32, #tpu.memory_space<hbm>>) target(%dma_start3A_406 : memref<201x64xf32, #tpu.memory_space<vmem>>) offsets(%dma_start3A_409 : memref<201xi32, #tpu.memory_space<vmem>>) semaphore(%arg15 : memref<!tpu.dma_semaphore, #tpu.memory_space<semaphore_mem>>)
        %add3A_413 = arith.constant 3 : i32
        %add3A_414 = arith.addi %mul3A_144, %add3A_413 : i32
        %mul3A_415 = arith.constant 2 : i32
        %mul3A_416 = arith.muli %add3A_414, %mul3A_415 : i32
        %add3A_417 = arith.addi %mul3A_2, %mul3A_416 : i32
        %dma_wait3A_418 = arith.constant 0 : i32
        %dma_wait3A_419 = arith.constant 0 : i32
        %dma_wait3A_420 = tpu.memref_slice %arg4[%add3A_417, %dma_wait3A_418, %dma_wait3A_419] : memref<16384x201x64xf32, #tpu.memory_space<hbm>> -> memref<2x201x64xf32, #tpu.memory_space<hbm>>
        %dma_wait3A_421 = arith.constant 0 : i32
        %dma_wait3A_422 = arith.constant 0 : i32
        %dma_wait3A_423 = tpu.memref_slice %arg4[%add3A_417, %dma_wait3A_421, %dma_wait3A_422] : memref<16384x201x64xf32, #tpu.memory_space<hbm>> -> memref<2x201x64xf32, #tpu.memory_space<hbm>>
        tpu.wait_dma2 semaphore(%arg20 : memref<!tpu.dma_semaphore, #tpu.memory_space<semaphore_mem>>) src(%arg12 : memref<2x201x64xf32, #tpu.memory_space<vmem>>) dst(%dma_wait3A_423 : memref<2x201x64xf32, #tpu.memory_space<hbm>>)
        %add3A_424 = arith.constant 4 : i32
        %add3A_425 = arith.addi %mul3A_144, %add3A_424 : i32
        %add3A_426 = arith.constant 3 : i32
        %add3A_427 = arith.addi %add3A_425, %add3A_426 : i32
        %mul3A_428 = arith.constant 2 : i32
        %mul3A_429 = arith.muli %add3A_427, %mul3A_428 : i32
        %add3A_430 = arith.addi %mul3A_2, %mul3A_429 : i32
        "tpu.region"() ({
          %run_scoped3A = tpu.sem_alloc : memref<!tpu.dma_semaphore, #tpu.memory_space<semaphore_mem>>
          %dma_start3A_455 = arith.constant 0 : i32
          %dma_start3A_456 = tpu.memref_slice %arg2[%add3A_430, %dma_start3A_455] : memref<16384x201xi32, #tpu.memory_space<hbm>> -> memref<2x201xi32, #tpu.memory_space<hbm>>
          %dma_start3A_457 = arith.constant 0 : i32
          %dma_start3A_458 = tpu.memref_slice %arg2[%add3A_430, %dma_start3A_457] : memref<16384x201xi32, #tpu.memory_space<hbm>> -> memref<2x201xi32, #tpu.memory_space<hbm>>
          tpu.enqueue_dma source(%dma_start3A_458 : memref<2x201xi32, #tpu.memory_space<hbm>>) target(%arg8 : memref<2x201xi32, #tpu.memory_space<vmem>>) target_semaphore(%run_scoped3A : memref<!tpu.dma_semaphore, #tpu.memory_space<semaphore_mem>>)
          %dma_wait3A_459 = arith.constant 0 : i32
          %dma_wait3A_460 = tpu.memref_slice %arg2[%add3A_430, %dma_wait3A_459] : memref<16384x201xi32, #tpu.memory_space<hbm>> -> memref<2x201xi32, #tpu.memory_space<hbm>>
          %dma_wait3A_461 = arith.constant 0 : i32
          %dma_wait3A_462 = tpu.memref_slice %arg2[%add3A_430, %dma_wait3A_461] : memref<16384x201xi32, #tpu.memory_space<hbm>> -> memref<2x201xi32, #tpu.memory_space<hbm>>
          tpu.wait_dma2 semaphore(%run_scoped3A : memref<!tpu.dma_semaphore, #tpu.memory_space<semaphore_mem>>) src(%dma_wait3A_462 : memref<2x201xi32, #tpu.memory_space<hbm>>) dst(%arg8 : memref<2x201xi32, #tpu.memory_space<vmem>>)
          tpu.yield
        }) : () -> ()
        %dma_start3A_431 = arith.constant 0 : i32
        %dma_start3A_432 = arith.constant 0 : i32
        %dma_start3A_433 = arith.constant 0 : i32
        %dma_start3A_434 = arith.constant 0 : i32
        %dma_start3A_435 = tpu.memref_slice %arg12[%dma_start3A_432, %dma_start3A_433, %dma_start3A_434] : memref<2x201x64xf32, #tpu.memory_space<vmem>> -> memref<1x201x64xf32, #tpu.memory_space<vmem>>
        %dma_start3A_436 = tpu.memref_squeeze %dma_start3A_435 : memref<1x201x64xf32, #tpu.memory_space<vmem>> -> memref<201x64xf32, #tpu.memory_space<vmem>>
        %dma_start3A_437 = arith.constant 0 : i32
        %dma_start3A_438 = tpu.memref_slice %arg8[%dma_start3A_431, %dma_start3A_437] : memref<2x201xi32, #tpu.memory_space<vmem>> -> memref<1x201xi32, #tpu.memory_space<vmem>>
        %dma_start3A_439 = tpu.memref_squeeze %dma_start3A_438 : memref<1x201xi32, #tpu.memory_space<vmem>> -> memref<201xi32, #tpu.memory_space<vmem>>
        %dma_start3A_440 = arith.constant 0 : i32
        %dma_start3A_441 = arith.constant 0 : i32
        %dma_start3A_442 = tpu.memref_slice %arg3[%dma_start3A_440, %dma_start3A_441] : memref<100002x64xf32, #tpu.memory_space<hbm>> -> memref<100002x64xf32, #tpu.memory_space<hbm>>
        tpu.enqueue_indirect_dma source(%dma_start3A_442 : memref<100002x64xf32, #tpu.memory_space<hbm>>) target(%dma_start3A_436 : memref<201x64xf32, #tpu.memory_space<vmem>>) offsets(%dma_start3A_439 : memref<201xi32, #tpu.memory_space<vmem>>) semaphore(%arg16 : memref<!tpu.dma_semaphore, #tpu.memory_space<semaphore_mem>>)
        %dma_start3A_443 = arith.constant 1 : i32
        %dma_start3A_444 = arith.constant 1 : i32
        %dma_start3A_445 = arith.constant 0 : i32
        %dma_start3A_446 = arith.constant 0 : i32
        %dma_start3A_447 = tpu.memref_slice %arg12[%dma_start3A_444, %dma_start3A_445, %dma_start3A_446] : memref<2x201x64xf32, #tpu.memory_space<vmem>> -> memref<1x201x64xf32, #tpu.memory_space<vmem>>
        %dma_start3A_448 = tpu.memref_squeeze %dma_start3A_447 : memref<1x201x64xf32, #tpu.memory_space<vmem>> -> memref<201x64xf32, #tpu.memory_space<vmem>>
        %dma_start3A_449 = arith.constant 0 : i32
        %dma_start3A_450 = tpu.memref_slice %arg8[%dma_start3A_443, %dma_start3A_449] : memref<2x201xi32, #tpu.memory_space<vmem>> -> memref<1x201xi32, #tpu.memory_space<vmem>>
        %dma_start3A_451 = tpu.memref_squeeze %dma_start3A_450 : memref<1x201xi32, #tpu.memory_space<vmem>> -> memref<201xi32, #tpu.memory_space<vmem>>
        %dma_start3A_452 = arith.constant 0 : i32
        %dma_start3A_453 = arith.constant 0 : i32
        %dma_start3A_454 = tpu.memref_slice %arg3[%dma_start3A_452, %dma_start3A_453] : memref<100002x64xf32, #tpu.memory_space<hbm>> -> memref<100002x64xf32, #tpu.memory_space<hbm>>
        tpu.enqueue_indirect_dma source(%dma_start3A_454 : memref<100002x64xf32, #tpu.memory_space<hbm>>) target(%dma_start3A_448 : memref<201x64xf32, #tpu.memory_space<vmem>>) offsets(%dma_start3A_451 : memref<201xi32, #tpu.memory_space<vmem>>) semaphore(%arg16 : memref<!tpu.dma_semaphore, #tpu.memory_space<semaphore_mem>>)
      } else {
      }
    }
    %scan3A_110 = arith.constant 64 : i32
    %add3A_111 = arith.constant 504 : i32
    %add3A_112 = arith.addi %mul3A_2, %add3A_111 : i32
    %dma_wait3A = arith.constant 0 : i32
    %dma_wait3A_113 = arith.constant 0 : i32
    %dma_wait3A_114 = tpu.memref_slice %arg4[%add3A_112, %dma_wait3A, %dma_wait3A_113] : memref<16384x201x64xf32, #tpu.memory_space<hbm>> -> memref<2x201x64xf32, #tpu.memory_space<hbm>>
    %dma_wait3A_115 = arith.constant 0 : i32
    %dma_wait3A_116 = arith.constant 0 : i32
    %dma_wait3A_117 = tpu.memref_slice %arg4[%add3A_112, %dma_wait3A_115, %dma_wait3A_116] : memref<16384x201x64xf32, #tpu.memory_space<hbm>> -> memref<2x201x64xf32, #tpu.memory_space<hbm>>
    tpu.wait_dma2 semaphore(%arg17 : memref<!tpu.dma_semaphore, #tpu.memory_space<semaphore_mem>>) src(%arg9 : memref<2x201x64xf32, #tpu.memory_space<vmem>>) dst(%dma_wait3A_117 : memref<2x201x64xf32, #tpu.memory_space<hbm>>)
    %add3A_118 = arith.constant 506 : i32
    %add3A_119 = arith.addi %mul3A_2, %add3A_118 : i32
    %dma_wait3A_120 = arith.constant 0 : i32
    %dma_wait3A_121 = arith.constant 0 : i32
    %dma_wait3A_122 = tpu.memref_slice %arg4[%add3A_119, %dma_wait3A_120, %dma_wait3A_121] : memref<16384x201x64xf32, #tpu.memory_space<hbm>> -> memref<2x201x64xf32, #tpu.memory_space<hbm>>
    %dma_wait3A_123 = arith.constant 0 : i32
    %dma_wait3A_124 = arith.constant 0 : i32
    %dma_wait3A_125 = tpu.memref_slice %arg4[%add3A_119, %dma_wait3A_123, %dma_wait3A_124] : memref<16384x201x64xf32, #tpu.memory_space<hbm>> -> memref<2x201x64xf32, #tpu.memory_space<hbm>>
    tpu.wait_dma2 semaphore(%arg18 : memref<!tpu.dma_semaphore, #tpu.memory_space<semaphore_mem>>) src(%arg10 : memref<2x201x64xf32, #tpu.memory_space<vmem>>) dst(%dma_wait3A_125 : memref<2x201x64xf32, #tpu.memory_space<hbm>>)
    %add3A_126 = arith.constant 508 : i32
    %add3A_127 = arith.addi %mul3A_2, %add3A_126 : i32
    %dma_wait3A_128 = arith.constant 0 : i32
    %dma_wait3A_129 = arith.constant 0 : i32
    %dma_wait3A_130 = tpu.memref_slice %arg4[%add3A_127, %dma_wait3A_128, %dma_wait3A_129] : memref<16384x201x64xf32, #tpu.memory_space<hbm>> -> memref<2x201x64xf32, #tpu.memory_space<hbm>>
    %dma_wait3A_131 = arith.constant 0 : i32
    %dma_wait3A_132 = arith.constant 0 : i32
    %dma_wait3A_133 = tpu.memref_slice %arg4[%add3A_127, %dma_wait3A_131, %dma_wait3A_132] : memref<16384x201x64xf32, #tpu.memory_space<hbm>> -> memref<2x201x64xf32, #tpu.memory_space<hbm>>
    tpu.wait_dma2 semaphore(%arg19 : memref<!tpu.dma_semaphore, #tpu.memory_space<semaphore_mem>>) src(%arg11 : memref<2x201x64xf32, #tpu.memory_space<vmem>>) dst(%dma_wait3A_133 : memref<2x201x64xf32, #tpu.memory_space<hbm>>)
    %add3A_134 = arith.constant 510 : i32
    %add3A_135 = arith.addi %mul3A_2, %add3A_134 : i32
    %dma_wait3A_136 = arith.constant 0 : i32
    %dma_wait3A_137 = arith.constant 0 : i32
    %dma_wait3A_138 = tpu.memref_slice %arg4[%add3A_135, %dma_wait3A_136, %dma_wait3A_137] : memref<16384x201x64xf32, #tpu.memory_space<hbm>> -> memref<2x201x64xf32, #tpu.memory_space<hbm>>
    %dma_wait3A_139 = arith.constant 0 : i32
    %dma_wait3A_140 = arith.constant 0 : i32
    %dma_wait3A_141 = tpu.memref_slice %arg4[%add3A_135, %dma_wait3A_139, %dma_wait3A_140] : memref<16384x201x64xf32, #tpu.memory_space<hbm>> -> memref<2x201x64xf32, #tpu.memory_space<hbm>>
    tpu.wait_dma2 semaphore(%arg20 : memref<!tpu.dma_semaphore, #tpu.memory_space<semaphore_mem>>) src(%arg12 : memref<2x201x64xf32, #tpu.memory_space<vmem>>) dst(%dma_wait3A_141 : memref<2x201x64xf32, #tpu.memory_space<hbm>>)
    return
  }
}

</mosaic_0001>

<sc_bundles>
// kernel: kernel.3.cloned.1.call-start
scs
__scs_entry_jumppad:
0x0: {  	(pc) =	sbr.rel $0x88, $3  }
0x1: {  	(tag) =	ssettag $0x0;
	lr =	simm.s32 $0x1  }
0x2: {  	[smem:$0x3F9F] =	sst lr;
	_ =	strace $0xD0000000  }
0x3: {  	_ = 	snop  }
0x4: {  	_ = 	snop  }
0x5: {  	_ = 	snop  }
0x6: {  	_ = 	snop  }
0x7: {  	_ = 	snop  }
__scs_overlays_trampoline_lowered:
0x8: {  	[smem:$0x3FAE] =	sst s0  }
0x9: {  	[smem:$0x3FAF] =	sst s1  }
0xa: {  	[smem:$0x3FB0] =	sst s2  }
0xb: {  	[smem:$0x3FB1] =	sst s3  }
0xc: {  	[smem:$0x3FB2] =	sst s4  }
0xd: {  	[smem:$0x3FB3] =	sst s5  }
0xe: {  	[smem:$0x3FB4] =	sst s6  }
0xf: {  	[smem:$0x3FB5] =	sst s7  }
0x10: {  	[smem:$0x3FB6] =	sst s8  }
0x11: {  	[smem:$0x3FB7] =	sst s9;
	s0 =	simm.s32 @!p0 $0x0  }
0x12: {  	s1 =	sld [smem:$0x3F9D];
	s0 =	simm.s32 @p0 $0x1  }
0x13: {  	[smem:$0x3FB8] =	sst s0;
	s0 =	simm.s32 @!p1 $0x0  }
0x14: {  	s2 =	sld [smem:$0x3F9C];
	s0 =	simm.s32 @p1 $0x1  }
0x15: {  	[smem:$0x3FB9] =	sst s0;
	s0 =	simm.s32 @!p2 $0x0  }
0x16: {  	s3 =	sld [smem:$0x3FDB];
	s0 =	simm.s32 @p2 $0x1  }
0x17: {  	s4 =	simm.s32 $0x1BF5;
	[smem:$0x3FBB] =	sst s0  }
0x18: {  	s0 =	sld [smem:$0x3F9E];
	_ =	swait.ge [sflag:s4], $0x0  }
0x19: {  	s7 =	sld [smem:$0x3F9F]  }
0x1a: {  	s8 =	sadd.s32 $0xFFFFE003, lr  }
0x1b: {  	s9 =	sadd.s32 $0xFFFFFEF7, lr;
	s5 =	simm.s32 $0xFFFFFFFF;
	p2 =	slt.u32 s8, $0xFFFFF086  }
0x1c: {  	p1 =	slt.u32 s9, $0xF7A;
	s5 =	simm.s32 @!p2 $0x0  }
0x1d: {  	s5 =	simm.s32 @p1 $0x1;
	p0 =	seq.s32 s7, s2  }
0x1e: {  	s7 =	smul.u32 @!p0 $0xF7A, s2;
	p2 =	seq.s32 @!p0 s5, $0x0  }
0x1f: {  	s9 =	smul.u32 $0xF7A, s1;
	s8 =	simm.s32 @!p0 $0x1BF5;
	p2 =	por !p2, p0  }
0x20: {  	[sflag:s8] =	ssyncset.s32 @!p0 $0xFFFFF086;
	s6 =	sadd.s32 @!p0 s3, s7;
	s7 =	simm.s32 @!p0 $0x108  }
0x21: {  	s3 =	sadd.s32 s3, s9;
	s6 =	sadd.s32 @!p0 $0x88, s6;
	s7 =	simm.s32 @p2 $0x1082  }
0x22: {  	[simem:s7], [sflag:s8] =	dma.local @!p0 [hbm:s6], $0xF7A  }
0x23: {  	s9 =	sor.u32 $0xD0000000, s2;
	s6 =	simm.s32 $0x108;
	_ =	swait.ge @!p0 [sflag:s8], $0x0  }
0x24: {  	s3 =	sadd.s32 $0x88, s3;
	s6 =	simm.s32 @!p1 $0x1082;
	[sflag:s4] =	ssyncset.s32 $0xFFFFF086  }
0x25: {  	[simem:s6], [sflag:s4] =	dma.local [hbm:s3], $0xF7A  }
0x26: {  	[smem:$0x3F9F] =	sst s1;
	(tag) =	ssettag s2;
	_ =	strace s9  }
0x27: {  	s1 =	sld [smem:$0x3FAF]  }
0x28: {  	s2 =	sld [smem:$0x3FB0]  }
0x29: {  	s4 =	sld [smem:$0x3FB2]  }
0x2a: {  	p0 =	seq.s32 s5, $0x0;
	s5 =	sld [smem:$0x3FB3]  }
0x2b: {  	s6 =	sld [smem:$0x3FB4]  }
0x2c: {  	s7 =	sld [smem:$0x3FB5]  }
0x2d: {  	s3 =	simm.s32 $0x108;
	s8 =	sld [smem:$0x3FB6]  }
0x2e: {  	s3 =	simm.s32 @!p0 $0x1082;
	s9 =	sld [smem:$0x3FB7]  }
0x2f: {  	lr =	sadd.s32 s0, s3;
	s0 =	sld [smem:$0x3FAE]  }
0x30: {  	s3 =	sld [smem:$0x3FB1]  }
0x31: {  	[smem:$0x3FBA] =	sst s10  }
0x32: {  	s10 =	sld [smem:$0x3FB8];
	_ =	sdelay $0x3  }
0x33: {  	p0 =	seq.s32 s10, $0x1;
	s10 =	sld [smem:$0x3FBA];
	_ =	sdelay $0x3  }
0x34: {  	[smem:$0x3FBA] =	sst s10  }
0x35: {  	s10 =	sld [smem:$0x3FB9];
	_ =	sdelay $0x3  }
0x36: {  	p1 =	seq.s32 s10, $0x1;
	s10 =	sld [smem:$0x3FBA];
	_ =	sdelay $0x3  }
0x37: {  	[smem:$0x3FBA] =	sst s10  }
0x38: {  	s10 =	sld [smem:$0x3FBB]  }
0x39: {  	_ = 	snop;
	(pc) =	sbr.ind lr, $3  }
0x3a: {  	_ = 	snop  }
0x3b: {  	_ = 	snop  }
0x3c: {  	p2 =	seq.s32 s10, $0x1;
	s10 =	sld [smem:$0x3FBA]  }
0x3d: {  	_ =	shalt  }
0x3e: {  	_ =	shalt  }
0x3f: {  	_ =	shalt  }
0x40: {  	_ =	shalt  }
0x41: {  	_ =	shalt  }
0x42: {  	_ =	shalt  }
0x43: {  	_ =	shalt  }
0x44: {  	_ =	shalt  }
0x45: {  	_ =	shalt  }
0x46: {  	_ =	shalt  }
0x47: {  	_ =	shalt  }
0x48: {  	_ =	shalt  }
0x49: {  	_ =	shalt  }
0x4a: {  	_ =	shalt  }
0x4b: {  	_ =	shalt  }
0x4c: {  	_ =	shalt  }
0x4d: {  	_ =	shalt  }
0x4e: {  	_ =	shalt  }
0x4f: {  	_ =	shalt  }
0x50: {  	_ =	shalt  }
0x51: {  	_ =	shalt  }
0x52: {  	_ =	shalt  }
0x53: {  	_ =	shalt  }
0x54: {  	_ =	shalt  }
0x55: {  	_ =	shalt  }
0x56: {  	_ =	shalt  }
0x57: {  	_ =	shalt  }
0x58: {  	_ =	shalt  }
0x59: {  	_ =	shalt  }
0x5a: {  	_ =	shalt  }
0x5b: {  	_ =	shalt  }
0x5c: {  	_ =	shalt  }
0x5d: {  	_ =	shalt  }
0x5e: {  	_ =	shalt  }
0x5f: {  	_ =	shalt  }
0x60: {  	_ =	shalt  }
0x61: {  	_ =	shalt  }
0x62: {  	_ =	shalt  }
0x63: {  	_ =	shalt  }
0x64: {  	_ =	shalt  }
0x65: {  	_ =	shalt  }
0x66: {  	_ =	shalt  }
0x67: {  	_ =	shalt  }
0x68: {  	_ =	shalt  }
0x69: {  	_ =	shalt  }
0x6a: {  	_ =	shalt  }
0x6b: {  	_ =	shalt  }
0x6c: {  	_ =	shalt  }
0x6d: {  	_ =	shalt  }
0x6e: {  	_ =	shalt  }
0x6f: {  	_ =	shalt  }
0x70: {  	_ =	shalt  }
0x71: {  	_ =	shalt  }
0x72: {  	_ =	shalt  }
0x73: {  	_ =	shalt  }
0x74: {  	_ =	shalt  }
0x75: {  	_ =	shalt  }
0x76: {  	_ =	shalt  }
0x77: {  	_ =	shalt  }
0x78: {  	_ =	shalt  }
0x79: {  	_ =	shalt  }
0x7a: {  	_ =	shalt  }
0x7b: {  	_ =	shalt  }
0x7c: {  	_ =	shalt  }
0x7d: {  	_ =	shalt  }
0x7e: {  	_ =	shalt  }
0x7f: {  	_ =	shalt  }
0x80: {  	_ =	shalt  }
0x81: {  	_ =	shalt  }
0x82: {  	_ =	shalt  }
0x83: {  	_ =	shalt  }
0x84: {  	_ =	shalt  }
0x85: {  	_ =	shalt  }
0x86: {  	_ =	shalt  }
0x87: {  	_ =	shalt  }
.Lfunc_end0:
.L_simem_size_0:
called_computation.1_lowered:
.L_overlay_start_0:
0x88: {  	s2 =	sld [smem:$0x3FD9]  }
0x89: {  	s3 =	sld [smem:$0x3FFE];
	_ =	sdelay $0x1  }
0x8a: {  	s1 =	srdreg.scid  }
0x8b: {  	s0 =	sand.u32 $0x1, s1  }
0x8c: {  	s17 =	sshll.u32 s0, $0xA;
	s2 =	sadd.s32 s3, s2  }
0x8d: {  	s2 =	sadd.s32 s2, s17  }
0x8e: {  	[smem:$0x3FC6] =	sst s2  }
0x8f: {  	_ = 	snop  }
0x90: {  	s2 =	sld [smem:$0x3FD0];
	(tm) =	ssettm $0x1  }
0x91: {  	s18 =	sld [smem:$0x3FFB];
	_ =	sdelay $0x3  }
0x92: {  	_ =	strace s18  }
0x93: {  	s3 =	sld [smem:$0x3FFC];
	_ =	sdelay $0x3  }
0x94: {  	_ =	strace s3  }
0x95: {  	s3 =	sld [smem:$0x3FFD];
	_ =	sdelay $0x3  }
0x96: {  	_ =	strace s3  }
0x97: {  	_ =	strace $0x8FFFFFFF  }
0x98: {  	s19 =	sld [smem:$0x3FDB];
	_ =	sdelay $0x1  }
0x99: {  	s4 =	simm.s32 $_scs_section_size  }
0x9a: {  	s5 =	simm.s32 $_size__tile_overlayer_lowered;
	s6 =	simm.s32 $_tile_overlayer_lowered  }
0x9b: {  	s22 =	simm.s32 $0x1BFF;
	s21 =	sshll.u32 s6, $0x1;
	s3 =	sadd.s32 s4, s19  }
0x9c: {  	s7 =	simm.s32 $0x0;
	s20 =	sshll.u32 s5, $0x1;
	s5 =	sadd.s32 s21, s3  }
0x9d: {  	[timem:s7], [sflag:s22] =	dma.local [hbm:s5], s20  }
0x9e: {  	_ =	swait.ge [sflag:s22], s20  }
0x9f: {  	s4 =	ssub.s32 $0x0, s20;
	[sflag:s22] =	ssyncset.done $0x0  }
0xa0: {  	[sflag:s22] =	ssyncadd.s32 s4;
	_ =	sdelay $0x1  }
0xa1: {  	s23 =	simm.s32 $0x1B8B  }
0xa2: {  	_ =	swait.ge [sflag:s23], $0x1  }
0xa3: {  	[sflag:s23] =	ssyncset.done $0x0  }
0xa4: {  	s25 =	simm.s32 $0x1B8E;
	s24 =	sld [smem:$0x3FFE];
	[sflag:s23] =	ssyncadd.s32 $0xFFFFFFFF  }
0xa5: {  	s26 =	simm.s32 $execute0_lowered;
	[smem:$0x3FD2] =	sst s25  }
0xa6: {  	s5 =	sshll.u32 s26, $0x1;
	_ =	strace $0x80000046;
	[dreg:$0x1] =	wrdreg $0xFFFFFFFF  }
0xa7: {  	s28 =	simm.s32 $_size_execute0_lowered;
	s3 =	sadd.s32 s3, s5;
	[dreg:$0x0] =	wrdreg $0x0  }
0xa8: {  	s5 =	sshll.u32 s28, $0x1;
	[dreg:$0x2] =	wrdreg s3  }
0xa9: {  	[dreg:$0x3] =	wrdreg s5  }
0xaa: {  	[dreg:$0x4] =	wrdreg $0xC0  }
0xab: {  	_ =	task [dreg:s7], $0x5FFFF  }
0xac: {  	[dreg:$0x1] =	wrdreg $0xFFFFFFFF  }
0xad: {  	[dreg:$0x0] =	wrdreg $0x60  }
0xae: {  	[dreg:$0x2] =	wrdreg s24  }
0xaf: {  	[dreg:$0x3] =	wrdreg s2  }
0xb0: {  	[dreg:$0x4] =	wrdreg $0x9  }
0xb1: {  	_ =	task.clear_ibuf [dreg:s7], $0x5FFFF;
	_ =	strace $0x90000046  }
0xb2: {  	s29 =	simm.s32 $0x9;
	_ =	strace $0x80000048  }
0xb3: {  	_ =	swait.ge [sflag:s29], $0x1  }
0xb4: {  	[sflag:s29] =	ssyncadd.s32 $0xFFFFFFFF  }
0xb5: {  	_ =	strace $0x90000048  }
0xb6: {  	_ =	sfence  }
0xb7: {  	s30 =	sld [smem:$0x0];
	_ =	sdelay $0x2  }
0xb8: {  	s31 =	sshll.u32 s1, $0xD;
	s1 =	sshrl.u32 s1, $0x2  }
0xb9: {  	s3 =	sand.u32 $0x4000, s31;
	s1 =	sadd.s32 s1, s30  }
0xba: {  	s0 =	sor.u32 s3, s0;
	s1 =	sshll.u32 s1, $0x11  }
0xbb: {  	s0 =	sor.u32 s1, s0  }
0xbc: {  	s0 =	sadd.s32 $0x8F2B, s0  }
0xbd: {  	[sflag:s0] =	ssyncadd.remote.s32 $0x1  }
0xbe: {  	_ =	sfence.sel $0xFFFF  }
0xbf: {  	[dreg:$0x0] =	wrdreg $0xFFFFFFFF;
	(pc) =	sbr.abs _section_cstart, $3  }
0xc0: {  	[dreg:$0x1] =	wrdreg $0xFFFFFFFF  }
0xc1: {  	_ =	task.clear_ibuf [dreg:s7], $0x2FFFF;
	_ =	strace $0x9FFFFFFF  }
0xc2: {  	(tm) =	ssettm $0x7FFFFFFF  }
0xc3: {  	_ =	shalt  }
tec
execute0_lowered:
.L_overlay_start_1:
0x0: {  	(tag) =	ssettag $0x1  }
0x1: {  	s0 =	rddreg [dreg:$0x0]  }
0x2: {  	s1 =	rddreg [dreg:$0x1]  }
0x3: {  	s3 =	srdreg.scid;
	s2 =	simm.s32 $0x0;
	s9 =	stileid.u32  }
0x4: {  	s11 =	simm.s32 $0x9;
	s12 =	simm.s32 $0xC9;
	s13 =	simm.s32 $0x680  }
0x5: {  	s15 =	simm.s32 $0x38C0;
	s16 =	simm.s32 $0x1A0;
	s17 =	simm.s32 $0x6B00  }
0x6: {  	s18 =	simm.s32 $0x270;
	s28 =	simm.s32 $0x16640;
	s29 =	simm.s32 $0x1  }
0x7: {  	s30 =	simm.s32 $0x2;
	s31 =	simm.s32 $0x3;
	s4 =	sand.u32 $0x1, s3  }
0x8: {  	[smem:$0x7FF] =	sst s2;
	s19 =	sshll.u32 s9, $0xA;
	s8 =	smul.u32 $0x6800, s9  }
0x9: {  	s20 =	sadd.s32 $0x800, s0;
	s24 =	smul.u32 $0x192000, s9;
	s5 =	sshll.u32 s4, $0x9  }
0xa: {  	_ =	strace $0x80000047;
	s6 =	ssub.s32 $0x2, s4;
	s22 =	smul.u32 $0x3400, s4  }
0xb: {  	s4 =	smul.u32 $0xC9000, s4;
	s3 =	sor.u32 s5, s19;
	s21 =	sshrl.u32 s6, $0x1  }
0xc: {  	s5 =	sadd.s32 s8, s20;
	s26 =	sadd.s32 s24, s1;
	s19 =	simm.s32 $0x9D40  }
0xd: {  	s24 =	simm.s32 $0x4E0;
	s1 =	simm.s32 $0x5;
	s8 =	simm.s32 $0x0  }
0xe: {  	s7 =	smul.u32 $0x1A, s3;
	s3 =	sadd.s32 $0x68800, s0;
	s0 =	ssub.s32 s6, s21  }
0xf: {  	s9 =	sadd.s32 s22, s5;
	s21 =	simm.s32 $0xCF80;
	s0 =	smax.u32 s0, $0x1  }
0x10: {  	s22 =	simm.s32 $0x410;
	s10 =	sadd.s32 s20, s7;
	[dreg:$0x7] =	wrdreg s0  }
0x11: {  	s5 =	simm.s32 $0x6;
	s0 =	sadd.s32 s4, s26;
	[dreg:$0x3] =	wrdreg s10  }
.Ltmp0:
0x12: {  	s7 =	sadd.s32 $0x34, s10;
	[dreg:$0x8] =	wrdreg s0;
	(pc) =	sbr.rel .LBB2_1-.Ltmp0, $4  }
0x13: {  	s6 =	simm.s32 $0x7;
	s23 =	sadd.s32 $0x68, s10;
	[dreg:$0x4] =	wrdreg s7  }
0x14: {  	s20 =	simm.s32 $0x340;
	s25 =	sadd.s32 $0x9C, s10;
	[dreg:$0x5] =	wrdreg s23  }
0x15: {  	s26 =	simm.s32 $0x5B0;
	s0 =	simm.s32 $0x4;
	[dreg:$0x6] =	wrdreg s25  }
0x16: {  	s23 =	simm.s32 $0x101C0;
	s25 =	simm.s32 $0x13400;
	s7 =	simm.s32 $0x8  }
.LBB2_4:
0x17: {  	_ =	swait.ge [sflag:s5], $0x6480  }
0x18: {  	[sflag:s5] =	ssyncset.done $0x0  }
0x19: {  	[sflag:s5] =	ssyncadd.s32 $0xFFFF9B80  }
0x1a: {  	_ =	swait.ge [sflag:s6], $0x6480  }
0x1b: {  	[sflag:s6] =	ssyncset.done $0x0  }
0x1c: {  	[sflag:s6] =	ssyncadd.s32 $0xFFFF9B80  }
0x1d: {  	_ =	swait.ge [sflag:s7], $0x6480  }
0x1e: {  	s8 =	rddreg [dreg:$0x9]  }
0x1f: {  	s4 =	rddreg [dreg:$0x7];
	s8 =	sadd.s32 $0x1, s8  }
0x20: {  	p0 =	sne.s32 s8, s4  }
.Ltmp1:
0x21: {  	_ = 	snop;
	(pc) =	sbr.rel @!p0 .LBB2_5-.Ltmp1, $3  }
0x22: {  	_ =	sdelay $0x1  }
0x23: {  	[sflag:s7] =	ssyncset.done $0x0  }
0x24: {  	[sflag:s7] =	ssyncadd.s32 $0xFFFF9B80  }
.LBB2_1:
0x25: {  	[dreg:$0x9] =	wrdreg s8  }
0x26: {  	s4 =	rddreg [dreg:$0x3]  }
0x27: {  	[tilespmem:s2], [sflag:$0x9] =	stream.linear.gather [hbm4b:s4+s2], $0x1A0, $0x38;
	[tilespmem:$0x19880] =	vst v63  }
0x28: {  	_ =	swait.ge [sflag:s11], $0x1A0  }
0x29: {  	[sflag:s11] =	ssyncset.done $0x0  }
0x2a: {  	[sflag:s11] =	ssyncadd.s32 $0xFFFFFE60  }
0x2b: {  	[tilespmem:s13], [sflag:$0x1] =	stream.indirect.gather [hbm4b:s3+s12], $0x40, s2, s12, $0xb8;
	[tilespmem:$0x19880] =	vst v63  }
0x2c: {  	s14 =	simm.s32 $0xD0  }
0x2d: {  	[tilespmem:s15], [sflag:$0x1] =	stream.indirect.gather [hbm4b:s3+s12], $0x40, s14, s12, $0xb8;
	[tilespmem:$0x19880] =	vst v63  }
0x2e: {  	s8 =	rddreg [dreg:$0x4]  }
0x2f: {  	[tilespmem:s16], [sflag:$0x9] =	stream.linear.gather [hbm4b:s8+s2], $0x1A0, $0x38;
	[tilespmem:$0x19880] =	vst v63  }
0x30: {  	_ =	swait.ge [sflag:s11], $0x1A0  }
0x31: {  	[sflag:s11] =	ssyncset.done $0x0  }
0x32: {  	[sflag:s11] =	ssyncadd.s32 $0xFFFFFE60  }
0x33: {  	[tilespmem:s17], [sflag:$0x2] =	stream.indirect.gather [hbm4b:s3+s12], $0x40, s16, s12, $0xb8;
	[tilespmem:$0x19880] =	vst v63  }
0x34: {  	_ = 	snop  }
0x35: {  	[tilespmem:s19], [sflag:$0x2] =	stream.indirect.gather [hbm4b:s3+s12], $0x40, s18, s12, $0xb8;
	[tilespmem:$0x19880] =	vst v63  }
0x36: {  	s10 =	rddreg [dreg:$0x5]  }
0x37: {  	[tilespmem:s20], [sflag:$0x9] =	stream.linear.gather [hbm4b:s10+s2], $0x1A0, $0x38;
	[tilespmem:$0x19880] =	vst v63  }
0x38: {  	_ =	swait.ge [sflag:s11], $0x1A0  }
0x39: {  	[sflag:s11] =	ssyncset.done $0x0  }
0x3a: {  	[sflag:s11] =	ssyncadd.s32 $0xFFFFFE60  }
0x3b: {  	[tilespmem:s21], [sflag:$0x3] =	stream.indirect.gather [hbm4b:s3+s12], $0x40, s20, s12, $0xb8;
	[tilespmem:$0x19880] =	vst v63  }
0x3c: {  	_ = 	snop  }
0x3d: {  	[tilespmem:s23], [sflag:$0x3] =	stream.indirect.gather [hbm4b:s3+s12], $0x40, s22, s12, $0xb8;
	[tilespmem:$0x19880] =	vst v63  }
0x3e: {  	s14 =	rddreg [dreg:$0x6]  }
0x3f: {  	[tilespmem:s24], [sflag:$0x9] =	stream.linear.gather [hbm4b:s14+s2], $0x1A0, $0x38;
	[tilespmem:$0x19880] =	vst v63  }
0x40: {  	_ =	swait.ge [sflag:s11], $0x1A0  }
0x41: {  	[sflag:s11] =	ssyncset.done $0x0  }
0x42: {  	[sflag:s11] =	ssyncadd.s32 $0xFFFFFE60  }
0x43: {  	[tilespmem:s25], [sflag:$0x4] =	stream.indirect.gather [hbm4b:s3+s12], $0x40, s24, s12, $0xb8;
	[tilespmem:$0x19880] =	vst v63  }
0x44: {  	s4 =	simm.s32 $0x0;
	s10 =	rddreg [dreg:$0x8]  }
0x45: {  	[tilespmem:s28], [sflag:$0x4] =	stream.indirect.gather [hbm4b:s3+s12], $0x40, s26, s12, $0xb8;
	[tilespmem:$0x19880] =	vst v63  }
.LBB2_2:
0x46: {  	_ =	swait.ge [sflag:s29], $0x3240  }
0x47: {  	[sflag:s29] =	ssyncset.done $0x0  }
0x48: {  	[sflag:s29] =	ssyncadd.s32 $0xFFFFCDC0  }
0x49: {  	_ =	swait.ge [sflag:s29], $0x3240  }
0x4a: {  	[sflag:s29] =	ssyncset.done $0x0  }
0x4b: {  	[sflag:s29] =	ssyncadd.s32 $0xFFFFCDC0  }
0x4c: {  	[hbm4b:s10+s2] =	stream.linear.scatter [tilespmem:s13], [sflag:$0x5], $0x6480, $0x38;
	[tilespmem:$0x19880] =	vst v63  }
0x4d: {  	_ =	swait.ge [sflag:s30], $0x3240  }
0x4e: {  	[sflag:s30] =	ssyncset.done $0x0  }
0x4f: {  	[sflag:s30] =	ssyncadd.s32 $0xFFFFCDC0  }
0x50: {  	_ =	swait.ge [sflag:s30], $0x3240  }
0x51: {  	[sflag:s30] =	ssyncset.done $0x0  }
0x52: {  	s8 =	sadd.s32 $0xC90, s10;
	[sflag:s30] =	ssyncadd.s32 $0xFFFFCDC0  }
0x53: {  	[hbm4b:s8+s2] =	stream.linear.scatter [tilespmem:s17], [sflag:$0x6], $0x6480, $0x38;
	[tilespmem:$0x19880] =	vst v63  }
0x54: {  	_ =	swait.ge [sflag:s31], $0x3240  }
0x55: {  	[sflag:s31] =	ssyncset.done $0x0  }
0x56: {  	[sflag:s31] =	ssyncadd.s32 $0xFFFFCDC0  }
0x57: {  	_ =	swait.ge [sflag:s31], $0x3240  }
0x58: {  	[sflag:s31] =	ssyncset.done $0x0  }
0x59: {  	s14 =	sadd.s32 $0x1920, s10;
	[sflag:s31] =	ssyncadd.s32 $0xFFFFCDC0  }
0x5a: {  	[hbm4b:s14+s2] =	stream.linear.scatter [tilespmem:s21], [sflag:$0x7], $0x6480, $0x38;
	[tilespmem:$0x19880] =	vst v63  }
0x5b: {  	_ =	swait.ge [sflag:s0], $0x3240  }
0x5c: {  	[sflag:s0] =	ssyncset.done $0x0  }
0x5d: {  	[sflag:s0] =	ssyncadd.s32 $0xFFFFCDC0  }
0x5e: {  	_ =	swait.ge [sflag:s0], $0x3240  }
0x5f: {  	p0 =	seq.s32 s4, $0x3330;
	[sflag:s0] =	ssyncset.done $0x0  }
.Ltmp2:
0x60: {  	s14 =	sadd.s32 $0x25B0, s10;
	[sflag:s0] =	ssyncadd.s32 $0xFFFFCDC0;
	(pc) =	sbr.rel @p0 .LBB2_4-.Ltmp2, $4  }
0x61: {  	[hbm4b:s14+s2] =	stream.linear.scatter [tilespmem:s25], [sflag:$0x8], $0x6480, $0x38;
	[tilespmem:$0x19880] =	vst v63  }
0x62: {  	_ =	swait.ge [sflag:s1], $0x6480  }
0x63: {  	[sflag:s1] =	ssyncset.done $0x0  }
0x64: {  	[sflag:s1] =	ssyncadd.s32 $0xFFFF9B80  }
0x65: {  	s8 =	sadd.s32 s4, s9  }
0x66: {  	s14 =	sadd.s32 $0xD0, s8  }
0x67: {  	[tilespmem:s2], [sflag:$0x9] =	stream.linear.gather [hbm4b:s14+s2], $0x1A0, $0x38;
	[tilespmem:$0x19880] =	vst v63  }
0x68: {  	_ =	swait.ge [sflag:s11], $0x1A0  }
0x69: {  	[sflag:s11] =	ssyncset.done $0x0  }
0x6a: {  	[sflag:s11] =	ssyncadd.s32 $0xFFFFFE60  }
0x6b: {  	[tilespmem:s13], [sflag:$0x1] =	stream.indirect.gather [hbm4b:s3+s12], $0x40, s2, s12, $0xb8;
	[tilespmem:$0x19880] =	vst v63  }
0x6c: {  	s14 =	simm.s32 $0xD0  }
0x6d: {  	[tilespmem:s15], [sflag:$0x1] =	stream.indirect.gather [hbm4b:s3+s12], $0x40, s14, s12, $0xb8;
	[tilespmem:$0x19880] =	vst v63  }
0x6e: {  	_ =	swait.ge [sflag:s5], $0x6480  }
0x6f: {  	[sflag:s5] =	ssyncset.done $0x0  }
0x70: {  	s14 =	sadd.s32 $0x104, s8;
	[sflag:s5] =	ssyncadd.s32 $0xFFFF9B80  }
0x71: {  	[tilespmem:s16], [sflag:$0x9] =	stream.linear.gather [hbm4b:s14+s2], $0x1A0, $0x38;
	[tilespmem:$0x19880] =	vst v63  }
0x72: {  	_ =	swait.ge [sflag:s11], $0x1A0  }
0x73: {  	[sflag:s11] =	ssyncset.done $0x0  }
0x74: {  	[sflag:s11] =	ssyncadd.s32 $0xFFFFFE60  }
0x75: {  	[tilespmem:s17], [sflag:$0x2] =	stream.indirect.gather [hbm4b:s3+s12], $0x40, s16, s12, $0xb8;
	[tilespmem:$0x19880] =	vst v63  }
0x76: {  	_ = 	snop  }
0x77: {  	[tilespmem:s19], [sflag:$0x2] =	stream.indirect.gather [hbm4b:s3+s12], $0x40, s18, s12, $0xb8;
	[tilespmem:$0x19880] =	vst v63  }
0x78: {  	_ =	swait.ge [sflag:s6], $0x6480  }
0x79: {  	[sflag:s6] =	ssyncset.done $0x0  }
0x7a: {  	s14 =	sadd.s32 $0x138, s8;
	[sflag:s6] =	ssyncadd.s32 $0xFFFF9B80  }
0x7b: {  	[tilespmem:s20], [sflag:$0x9] =	stream.linear.gather [hbm4b:s14+s2], $0x1A0, $0x38;
	[tilespmem:$0x19880] =	vst v63  }
0x7c: {  	_ =	swait.ge [sflag:s11], $0x1A0  }
0x7d: {  	[sflag:s11] =	ssyncset.done $0x0  }
0x7e: {  	[sflag:s11] =	ssyncadd.s32 $0xFFFFFE60  }
0x7f: {  	[tilespmem:s21], [sflag:$0x3] =	stream.indirect.gather [hbm4b:s3+s12], $0x40, s20, s12, $0xb8;
	[tilespmem:$0x19880] =	vst v63  }
0x80: {  	_ = 	snop  }
0x81: {  	[tilespmem:s23], [sflag:$0x3] =	stream.indirect.gather [hbm4b:s3+s12], $0x40, s22, s12, $0xb8;
	[tilespmem:$0x19880] =	vst v63  }
0x82: {  	_ =	swait.ge [sflag:s7], $0x6480  }
0x83: {  	[sflag:s7] =	ssyncset.done $0x0  }
0x84: {  	s8 =	sadd.s32 $0x16C, s8;
	[sflag:s7] =	ssyncadd.s32 $0xFFFF9B80  }
0x85: {  	[tilespmem:s24], [sflag:$0x9] =	stream.linear.gather [hbm4b:s8+s2], $0x1A0, $0x38;
	[tilespmem:$0x19880] =	vst v63  }
0x86: {  	_ =	swait.ge [sflag:s11], $0x1A0  }
.Ltmp3:
0x87: {  	[sflag:s11] =	ssyncset.done $0x0;
	(pc) =	sbr.rel .LBB2_2-.Ltmp3, $4  }
0x88: {  	[sflag:s11] =	ssyncadd.s32 $0xFFFFFE60  }
0x89: {  	[tilespmem:s25], [sflag:$0x4] =	stream.indirect.gather [hbm4b:s3+s12], $0x40, s24, s12, $0xb8;
	[tilespmem:$0x19880] =	vst v63  }
0x8a: {  	s4 =	sadd.s32 $0xD0, s4;
	s10 =	sadd.s32 $0x3240, s10  }
0x8b: {  	[tilespmem:s28], [sflag:$0x4] =	stream.indirect.gather [hbm4b:s3+s12], $0x40, s26, s12, $0xb8;
	[tilespmem:$0x19880] =	vst v63  }
.LBB2_5:
0x8c: {  	_ =	sfence.sel $0x180000  }
0x8d: {  	[bflag:$0x0] =	sbarrier.arrive $0xFFFF  }
0x8e: {  	_ =	strace $0x90000047  }
0x8f: {  	s0 =	stileid.u32;
	[bflag:$0x2] =	sbarrier.arrive $0xFFFF  }
0x90: {  	p0 =	sne.s32 s0, $0x0;
	s0 =	rddreg [dreg:$0x2]  }
0x91: {  	s0 =	sadd.s32 @!p0 $0x100000, s0  }
0x92: {  	[sflag:s0] =	ssyncadd.tile.s32 @!p0 $0x1;
	_ =	shalt  }
.Lfunc_end2:
_tile_overlayer_lowered:
.L_overlay_start_2:
0x93: {  	(tag) =	ssettag $0x2  }
0x94: {  	s0 =	rddreg [dreg:$0x0];
	s2 =	stileid.u32  }
0x95: {  	s1 =	rddreg [dreg:$0x1];
	p0 =	sne.s32 s2, $0x0  }
0x96: {  	s3 =	rddreg [dreg:$0x2];
	[bflag:$0x3] =	sbarrier.arrive $0xFFFF;
	s2 =	simm.s32 @!p0 $0x1C09  }
0x97: {  	[timem:s3], [sflag:s2] =	dma.local @!p0 [hbm:s0], s1  }
0x98: {  	s0 =	simm.s32 @!p0 $0x9  }
0x99: {  	_ =	swait.ge @!p0 [sflag:s0], s1  }
0x9a: {  	s1 =	ssub.s32 @!p0 $0x0, s1;
	[sflag:s0] =	ssyncset.done @!p0 $0x0  }
0x9b: {  	[sflag:s0] =	ssyncadd.s32 @!p0 s1  }
0x9c: {  	[bflag:$0x3] =	sbarrier.arrive $0xFFFF  }
0x9d: {  	_ =	shalt  }

// kernel: sparse-core-data-format-call.cloned.1.call-start
scs
called_computation_lowered:
.L_overlay_start_0:
0x0: {  	s2 =	sld [smem:$0x3FD9]  }
0x1: {  	s3 =	sld [smem:$0x3FFE];
	_ =	sdelay $0x1  }
0x2: {  	s1 =	srdreg.scid  }
0x3: {  	s0 =	sand.u32 $0x1, s1  }
0x4: {  	s18 =	sshll.u32 s0, $0xA;
	s2 =	sadd.s32 s3, s2  }
0x5: {  	s2 =	sadd.s32 s2, s18  }
0x6: {  	[smem:$0x3FC6] =	sst s2  }
0x7: {  	_ = 	snop  }
0x8: {  	s2 =	sld [smem:$0x3FD0];
	(tm) =	ssettm $0x1  }
0x9: {  	s19 =	sld [smem:$0x3FFB];
	_ =	sdelay $0x3  }
0xa: {  	_ =	strace s19  }
0xb: {  	s3 =	sld [smem:$0x3FFC];
	_ =	sdelay $0x3  }
0xc: {  	_ =	strace s3  }
0xd: {  	s3 =	sld [smem:$0x3FFD];
	_ =	sdelay $0x3  }
0xe: {  	_ =	strace s3  }
0xf: {  	_ =	strace $0x8FFFFFFF  }
0x10: {  	s20 =	sld [smem:$0x3FDB];
	_ =	sdelay $0x1  }
0x11: {  	s4 =	simm.s32 $_scs_section_size  }
0x12: {  	s5 =	simm.s32 $_size__tile_overlayer_lowered;
	s6 =	simm.s32 $_tile_overlayer_lowered  }
0x13: {  	s23 =	simm.s32 $0x1BFF;
	s22 =	sshll.u32 s6, $0x1;
	s3 =	sadd.s32 s4, s20  }
0x14: {  	s7 =	simm.s32 $0x0;
	s21 =	sshll.u32 s5, $0x1;
	s5 =	sadd.s32 s22, s3  }
0x15: {  	[timem:s7], [sflag:s23] =	dma.local [hbm:s5], s21  }
0x16: {  	_ =	swait.ge [sflag:s23], s21  }
0x17: {  	s4 =	ssub.s32 $0x0, s21;
	[sflag:s23] =	ssyncset.done $0x0  }
0x18: {  	[sflag:s23] =	ssyncadd.s32 s4;
	_ =	sdelay $0x1  }
0x19: {  	s24 =	simm.s32 $0x1B8B  }
0x1a: {  	_ =	swait.ge [sflag:s24], $0x1  }
0x1b: {  	[sflag:s24] =	ssyncset.done $0x0  }
0x1c: {  	s26 =	simm.s32 $0x1B8E;
	s25 =	sld [smem:$0x3FFE];
	[sflag:s24] =	ssyncadd.s32 $0xFFFFFFFF  }
0x1d: {  	s27 =	simm.s32 $execute0_lowered;
	[smem:$0x3FD2] =	sst s26  }
0x1e: {  	s5 =	sshll.u32 s27, $0x1;
	_ =	strace $0x80000049;
	[dreg:$0x1] =	wrdreg $0xFFFFFFFF  }
0x1f: {  	s28 =	simm.s32 $_size_execute0_lowered;
	s3 =	sadd.s32 s3, s5;
	[dreg:$0x0] =	wrdreg $0x0  }
0x20: {  	s5 =	sshll.u32 s28, $0x1;
	[dreg:$0x2] =	wrdreg s3  }
0x21: {  	[dreg:$0x3] =	wrdreg s5  }
0x22: {  	[dreg:$0x4] =	wrdreg $0xC0  }
0x23: {  	_ =	task [dreg:s7], $0x5FFFF  }
0x24: {  	[dreg:$0x1] =	wrdreg $0xFFFFFFFF  }
0x25: {  	[dreg:$0x0] =	wrdreg $0x60  }
0x26: {  	[dreg:$0x2] =	wrdreg s25  }
0x27: {  	[dreg:$0x3] =	wrdreg s2  }
0x28: {  	[dreg:$0x4] =	wrdreg $0x9  }
0x29: {  	_ =	task.clear_ibuf [dreg:s7], $0x5FFFF;
	_ =	strace $0x90000049  }
0x2a: {  	s29 =	simm.s32 $0x9;
	_ =	strace $0x8000004B  }
0x2b: {  	_ =	swait.ge [sflag:s29], $0x1  }
0x2c: {  	[sflag:s29] =	ssyncadd.s32 $0xFFFFFFFF  }
0x2d: {  	_ =	strace $0x9000004B  }
0x2e: {  	_ =	sfence  }
0x2f: {  	s30 =	sld [smem:$0x0];
	_ =	sdelay $0x2  }
0x30: {  	s31 =	sshll.u32 s1, $0xD;
	s1 =	sshrl.u32 s1, $0x2  }
0x31: {  	s3 =	sand.u32 $0x4000, s31;
	s1 =	sadd.s32 s1, s30  }
0x32: {  	s0 =	sor.u32 s3, s0;
	s1 =	sshll.u32 s1, $0x11  }
0x33: {  	s0 =	sor.u32 s1, s0  }
0x34: {  	s0 =	sadd.s32 $0x8F2B, s0  }
0x35: {  	[sflag:s0] =	ssyncadd.remote.s32 $0x1  }
0x36: {  	_ =	sfence.sel $0xFFFF  }
0x37: {  	[dreg:$0x0] =	wrdreg $0xFFFFFFFF;
	(pc) =	sbr.abs _section_cstart, $3  }
0x38: {  	[dreg:$0x1] =	wrdreg $0xFFFFFFFF  }
0x39: {  	_ =	task.clear_ibuf [dreg:s7], $0x2FFFF;
	_ =	strace $0x9FFFFFFF  }
0x3a: {  	(tm) =	ssettm $0x7FFFFFFF  }
0x3b: {  	_ =	shalt  }
tec
execute0_lowered:
.L_overlay_start_1:
0x0: {  	(tag) =	ssettag $0x1  }
0x1: {  	s0 =	srdreg.scid  }
0x2: {  	s1 =	sshll.u32 s0, $0x4  }
0x3: {  	s0 =	stileid.u32;
	s1 =	sand.u32 $0x10, s1  }
0x4: {  	s1 =	sor.u32 s0, s1  }
0x5: {  	s6 =	rddreg [dreg:$0x0];
	s4 =	simm.s32 $0x1;
	s2 =	sshll.u32 s1, $0x7  }
0x6: {  	s7 =	simm.s32 $0x2;
	s12 =	simm.s32 $0x0;
	s1 =	ssub.s32 $0x4000, s2  }
0x7: {  	s8 =	simm.s32 $0x20000;
	s13 =	simm.s32 $0x0;
	s3 =	sand.u32 $0xF80, s1  }
0x8: {  	s9 =	simm.s32 $0x0;
	s5 =	sshrl.u32 s1, $0xC;
	p0 =	sne.s32 s3, $0x0  }
.Ltmp0:
0x9: {  	s1 =	rddreg [dreg:$0x2];
	s4 =	simm.s32 @!p0 $0x0;
	(pc) =	sbr.rel .LBB1_1-.Ltmp0, $4  }
0xa: {  	s11 =	simm.s32 $0x0;
	s3 =	rddreg [dreg:$0x1];
	s5 =	sadd.s32 s4, s5  }
0xb: {  	_ =	strace $0x8000004A;
	s4 =	simm.s32 $0x1;
	s5 =	smul.u32 $0xC9, s5  }
0xc: {  	s6 =	sadd.s32 $0x800, s6;
	s10 =	smov.u32 s2;
	[sflag:s4] =	ssyncpa.u1 $0x0  }
0xd: {  	p0 =	por $0x0, $0x0;
	[sflag:s7] =	ssyncpa.u1 $0x0;
	s7 =	sadd.s32 $0x1, s5  }
.LBB1_4:
0xe: {  	s16 =	sshll.u32 s13, $0x3;
	s17 =	sand.u32 $0x78, s13  }
0xf: {  	s30 =	sand.u32 $0x1F800, s13;
	s12 =	sshll.u32 s12, $0x11;
	s16 =	sand.u32 $0x3C00, s16  }
0x10: {  	[tilespmem:s15+$0x810 ss:$0x81] =	vst.msk $0xffff, v2;
	s31 =	sand.u32 $0x7, s13;
	s16 =	sor.u32 s17, s16;
	s17 =	sadd.s32 s3, s30  }
0x11: {  	[tilespmem:s15+$0x1020 ss:$0x81] =	vst.msk $0xffff, v0;
	s13 =	sshll.u32 s31, $0x12;
	s12 =	sadd.s32 s12, s17;
	s16 =	sshrl.u32 s16, $0x3  }
0x12: {  	[tilespmem:s15+$0x0 ss:$0x81] =	vst.msk $0xffff, v1;
	s13 =	sor.u32 $0x400, s13;
	s12 =	sadd.s32 s16, s12  }
0x13: {  	[hbm4b:s12+s13] =	stream.strided.scatter [tilespmem:s14], [sflag:$0x2], $0x2000, s8, s13, $0x20;
	[tilespmem:$0x8080] =	vst v63  }
.LBB1_5:
0x14: {  	s14 =	sadd.s32 $0x1, s9  }
0x15: {  	s12 =	sadd.s32 $0x1000, s10;
	s16 =	smov.u32 s10;
	p2 =	sgt.s32 s14, $0xC8  }
0x16: {  	s16 =	smov.u32 @p2 s12  }
0x17: {  	s14 =	simm.s32 @p2 $0x0;
	p2 =	sgt.s32 s16, $0x3FFF  }
0x18: {  	s16 =	smov.u32 @p2 s2;
	p2 =	sne.s32 s11, s7  }
.Ltmp1:
0x19: {  	p1 =	slt.u32 s11, $0x2;
	(pc) =	sbr.rel @!p2 .LBB1_6-.Ltmp1, $4  }
0x1a: {  	s15 =	simm.s32 @!p1 $0x2  }
0x1b: {  	s13 =	smov.u32 s10;
	p0 =	por !p0, !p0;
	_ =	swait.ge @!p1 [sflag:s15], $0x2000  }
0x1c: {  	s12 =	smov.u32 s9;
	[sflag:s15] =	ssyncset.done @!p1 $0x0;
	s9 =	smov.u32 s14  }
0x1d: {  	s11 =	sadd.s32 $0x1, s11;
	[sflag:s15] =	ssyncadd.s32 @!p1 $0xFFFFE000;
	s10 =	smov.u32 s16  }
.LBB1_1:
0x1e: {  	p1 =	sge.u32 s11, s5  }
0x1f: {  	s14 =	sand.u32 @!p1 $0x1FFFFFF, s9  }
0x20: {  	s15 =	smulhi.u32 @!p1 $0x2762763, s14;
	_ =	sdelay $0x1  }
0x21: {  	s15 =	sshrl.u32 @!p1 s15, $0x1  }
0x22: {  	s15 =	smul.u32 @!p1 $0xD0, s15  }
0x23: {  	s16 =	sxor.u32 @!p1 $0xFFFFFFFF, s11;
	s17 =	smul.u32 @!p1 $0xD00, s10  }
0x24: {  	s31 =	sadd.s32 $0xFFFFFFFF, s11;
	s16 =	sshll.u32 @!p1 s16, $0xD;
	s14 =	ssub.s32 @!p1 s14, s15  }
0x25: {  	s15 =	sand.u32 @!p1 $0x2000, s16;
	s16 =	sadd.s32 @!p1 s6, s17;
	s14 =	sshll.u32 @!p1 s14, $0x4  }
0x26: {  	s17 =	simm.s32 @!p1 $0x6800;
	s14 =	sadd.s32 @!p1 s14, s16;
	s16 =	simm.s32 @!p1 $0x40  }
0x27: {  	[tilespmem:s15], [sflag:$0x1] =	stream.strided.gather @!p1 [hbm4b:s14+s16], $0x2000, s17, s16, $0x38;
	[tilespmem:$0x8080] =	vst v63  }
0x28: {  	p1 =	sge.u32 s31, s5  }
.Ltmp2:
0x29: {  	_ = 	snop;
	(pc) =	sbr.rel @p1 .LBB1_5-.Ltmp2, $1  }
0x2a: {  	_ =	sdelay $0x3  }
0x2b: {  	s14 =	simm.s32 $0x1  }
0x2c: {  	_ =	swait.ge [sflag:s4], $0x2000;
	s14 =	simm.s32 @!p0 $0x0  }
0x2d: {  	[sflag:s4] =	ssyncset.done $0x0;
	s15 =	sshll.u32 s14, $0xD  }
0x2e: {  	[sflag:s4] =	ssyncadd.s32 $0xFFFFE000;
	s18 =	sor.u32 $0x20, s15  }
0x2f: {  	s14 =	smul.u32 $0x8100, s14;
	v3 =	vld [tilespmem:s18+$0x10]  }
0x30: {  	s30 =	sand.u32 $0x1, s11;
	v2 =	vld [tilespmem:s18+$0xFFFFFFF0]  }
0x31: {  	s15 =	smul.u32 $0x8100, s30;
	s14 =	sshrl.u32 s14, $0x2;
	v0 =	vld [tilespmem:s18+$0x0]  }
0x32: {  	v1 =	vld [tilespmem:s18+$0xFFFFFFE0];
	s16 =	sor.u32 $0x4000, s14  }
0x33: {  	s31 =	sshrl.u32 s15, $0x2;
	s15 =	sadd.s32 $0x0, s16  }
0x34: {  	s17 =	simm.s32 $0x4;
	s18 =	sadd.s32 $0x40, s18;
	s14 =	sor.u32 $0x4000, s31;
	[tilespmem:s15+$0x1830 ss:$0x81] =	vst.msk $0xffff, v3  }
.LBB1_3:
0x35: {  	v3 =	vld [tilespmem:s18+$0x10];
	p1 =	sne.s32 s17, $0x1FC;
	[tilespmem:s15+$0x810 ss:$0x81] =	vst.msk $0xffff, v2;
	s19 =	smov.u32 s17;
	s17 =	sadd.s32 $0x4, s17  }
.Ltmp3:
0x36: {  	v2 =	vld [tilespmem:s18+$0xFFFFFFF0];
	[tilespmem:s15+$0x1020 ss:$0x81] =	vst.msk $0xffff, v0;
	(pc) =	sbr.rel @p1 .LBB1_3-.Ltmp3, $4  }
0x37: {  	v0 =	vld [tilespmem:s18+$0x0];
	[tilespmem:s15+$0x0 ss:$0x81] =	vst.msk $0xffff, v1  }
0x38: {  	s15 =	sshra.s32 s19, $0x2;
	v1 =	vld [tilespmem:s18+$0xFFFFFFE0]  }
0x39: {  	s15 =	sadd.s32 s15, s16  }
0x3a: {  	s18 =	sadd.s32 $0x40, s18;
	[tilespmem:s15+$0x1830 ss:$0x81] =	vst.msk $0xffff, v3  }
.Ltmp4:
0x3b: {  	_ = 	snop;
	(pc) =	sbr.rel .LBB1_4-.Ltmp4, $1  }
0x3c: {  	_ =	sdelay $0x3  }
.LBB1_6:
0x3d: {  	_ =	sfence.sel $0x180000  }
0x3e: {  	s2 =	simm.s32 $0x1;
	[bflag:$0x0] =	sbarrier.arrive $0xFFFF  }
0x3f: {  	s31 =	simm.s32 $0x2;
	[sflag:s2] =	ssyncpa.u1 $0x1  }
0x40: {  	[sflag:s31] =	ssyncpa.u1 $0x1  }
0x41: {  	p0 =	sne.s32 s0, $0x0;
	_ =	strace $0x9000004A  }
0x42: {  	s0 =	sadd.s32 @!p0 $0x100000, s1;
	[bflag:$0x2] =	sbarrier.arrive $0xFFFF  }
0x43: {  	[sflag:s0] =	ssyncadd.tile.s32 @!p0 $0x1;
	_ =	shalt  }
.Lfunc_end1:
_tile_overlayer_lowered:
.L_overlay_start_2:
0x44: {  	(tag) =	ssettag $0x2  }
0x45: {  	s0 =	rddreg [dreg:$0x0];
	s2 =	stileid.u32  }
0x46: {  	s1 =	rddreg [dreg:$0x1];
	p0 =	sne.s32 s2, $0x0  }
0x47: {  	s3 =	rddreg [dreg:$0x2];
	[bflag:$0x3] =	sbarrier.arrive $0xFFFF;
	s2 =	simm.s32 @!p0 $0x1C01  }
0x48: {  	[timem:s3], [sflag:s2] =	dma.local @!p0 [hbm:s0], s1  }
0x49: {  	s0 =	simm.s32 @!p0 $0x1  }
0x4a: {  	_ =	swait.ge @!p0 [sflag:s0], s1  }
0x4b: {  	s1 =	ssub.s32 @!p0 $0x0, s1;
	[sflag:s0] =	ssyncset.done @!p0 $0x0  }
0x4c: {  	[sflag:s0] =	ssyncadd.s32 @!p0 s1  }
0x4d: {  	[bflag:$0x3] =	sbarrier.arrive $0xFFFF  }
0x4e: {  	_ =	shalt  }

</sc_bundles>
